<compile_context>
chip_gen: v7x
topology: tpu7x:2x2x1
jax: 0.10.2.dev20260603
libtpu: 0.0.44.dev20260713+nightly
codegen_flags: <defaults>
</compile_context>

<pallas_src>
import functools

import jax
import jax.numpy as jnp
from jax import lax
from jax.experimental import pallas as pl
from jax.experimental.pallas import tpu as pltpu
from jax.experimental.pallas import tpu_sc as plsc

N = 8192
K1 = 17
NC, NS, L = 2, 16, 16
NW = NC * NS
RPW = N // NW
HR = RPW // 2
HE = K1 * HR
E = K1 * RPW
CH = 128


def _sc_row_sums(data_phys, idx_t):
    mesh = plsc.VectorSubcoreMesh(
        core_axis_name="c", subcore_axis_name="s",
        num_cores=NC, num_subcores=NS)

    @functools.partial(
        pl.kernel,
        out_type=jax.ShapeDtypeStruct((N,), jnp.float32),
        mesh=mesh,
        compiler_params=pltpu.CompilerParams(needs_layout_passes=False),
        scratch_types=[
            pltpu.VMEM((K1, RPW), jnp.int32),
            pltpu.VMEM((RPW,), jnp.int32),
            pltpu.VMEM((E,), jnp.int32),
            pltpu.VMEM((E,), jnp.float32),
            pltpu.VMEM((RPW,), jnp.float32),
            pltpu.SemaphoreType.DMA,
            pltpu.SemaphoreType.DMA,
        ],
    )
    def rowsum_kernel(data_hbm, idx_hbm, out_hbm, cols_v, ioff_v, flat_v,
                      gath_v, sums_v, sem, csem):
        wid = lax.axis_index("s") * NC + lax.axis_index("c")
        base = wid * RPW

        cols_dma = pltpu.async_copy(
            idx_hbm.at[:, pl.ds(base, RPW)], cols_v, csem)

        def pre_chunk(c, carry):
            i = base + c * L + lax.iota(jnp.int32, L)
            ioff_v[pl.ds(c * L, L)] = ((i >> 3) << 16) + ((i & 7) << 7)
            return carry

        lax.fori_loop(0, RPW // L, pre_chunk, 0)
        cols_dma.wait()

        def build_half(h):
            def build_chunk(c, carry):
                r = h * HR + c * L
                ioff = ioff_v[pl.ds(r, L)]

                def build_j(j, carry):
                    col = cols_v[j, pl.ds(r, L)]
                    flat_v[pl.ds(h * HE + j * HR + c * L, L)] = (
                        ioff + ((col >> 7) << 10) + (col & 127))
                    return carry

                return lax.fori_loop(0, K1, build_j, carry)

            lax.fori_loop(0, HR // L, build_chunk, 0)

        def fire_half(h):
            return [
                pltpu.async_copy(
                    data_hbm.at[flat_v.at[pl.ds(h * HE + j * CH, CH)]],
                    gath_v.at[pl.ds(h * HE + j * CH, CH)], sem)
                for j in range(K1)
            ]

        def reduce_half(h):
            def reduce_chunk(c, carry):
                def add_j(j, acc):
                    return acc + gath_v[pl.ds(h * HE + j * HR + c * L, L)]

                acc = lax.fori_loop(
                    1, K1, add_j, gath_v[pl.ds(h * HE + c * L, L)])
                sums_v[pl.ds(h * HR + c * L, L)] = acc
                return carry

            lax.fori_loop(0, HR // L, reduce_chunk, 0)

        build_half(0)
        descs0 = fire_half(0)
        build_half(1)
        descs1 = fire_half(1)
        for d in descs0:
            d.wait()
        reduce_half(0)
        for d in descs1:
            d.wait()
        reduce_half(1)

        pltpu.sync_copy(sums_v, out_hbm.at[pl.ds(base, RPW)])

    return rowsum_kernel(data_phys, idx_t)


def _tc_softmax(a_raw):

    def body(x_ref, alpha_ref):
        x = x_ref[...]
        m = jnp.max(x)
        e = jnp.exp(x - m)
        alpha_ref[...] = e / jnp.sum(e)

    return pl.pallas_call(
        body,
        out_shape=jax.ShapeDtypeStruct((N,), jnp.float32),
    )(a_raw)


def kernel(data_input, neighbor_indices):
    idx = neighbor_indices[:, :K1].astype(jnp.int32)
    idx_t = idx.T.reshape(K1, N)
    data_phys = (data_input
                 .reshape(N // 8, 8, N // 128, 128)
                 .transpose(0, 2, 1, 3)
                 .reshape(N * N))
    a_raw = _sc_row_sums(data_phys, idx_t)
    alpha = _tc_softmax(a_raw)
    return (alpha, a_raw)

# --- scband reference (transcript-rebuilt; emitter-appended) ---
"""Pipeline reference for scband-neighbor-aggregator-89146341196441 (READ-ONLY COPY).

The authoritative reference and input builder live on the scoring server;
editing this copy changes nothing except your own understanding.
"""

import jax, jax.numpy as jnp
import numpy as np

N = 8192
K_NEIGH = 16

def setup_inputs(seed: int = 0) -> dict:
    key = jax.random.key(seed)
    k1, k2 = jax.random.split(key)
    data_input = jax.random.normal(k1, (N, N), dtype=jnp.float32)
    neighbor_indices = jax.random.randint(k2, (N, K_NEIGH + 1), 0, N, dtype=jnp.int64)
    return {"data_input": data_input, "neighbor_indices": neighbor_indices}

def reference(data_input, neighbor_indices):
    n = data_input.shape[0]
    k = K_NEIGH
    # adjacency from neighbor indices: nnz positions (row, col)
    idx = neighbor_indices[:, : k + 1]
    rows = jnp.repeat(jnp.arange(n, dtype=jnp.int64), k + 1)
    cols = idx.ravel()
    # sparse elementwise multiply with data_input == gather at nnz positions
    # (duplicate indices in the tf.SparseTensor are summed by reduce_sum,
    #  which segment_sum reproduces)
    vals = data_input[rows, cols]
    reduced_sum = jax.ops.segment_sum(vals, rows, num_segments=n)
    A_raw = reduced_sum.reshape((data_input.shape[1],))
    alpha = jax.nn.softmax(A_raw)
    return (alpha, A_raw)

if __name__ == "__main__":
    import jax
    _d = setup_inputs()
    print(jax.jit(kernel)(*tuple(_d.values())))

</pallas_src>

<mosaic_0001>
#map = affine_map<(d0, d1) -> (0)>
#map1 = affine_map<(d0, d1) -> (0, 0)>
module attributes {stable_mosaic.version = 14 : i64} {
  func.func @rowsum_kernel(%arg0: i32, %arg1: i32, %arg2: memref<67108864xf32, #tpu.memory_space<hbm>>, %arg3: memref<17x8192xi32, #tpu.memory_space<hbm>>, %arg4: memref<8192xf32, #tpu.memory_space<hbm>>, %arg5: memref<17x256xi32, #tpu.memory_space<vmem>>, %arg6: memref<256xi32, #tpu.memory_space<vmem>>, %arg7: memref<4352xi32, #tpu.memory_space<vmem>>, %arg8: memref<4352xf32, #tpu.memory_space<vmem>>, %arg9: memref<256xf32, #tpu.memory_space<vmem>>, %arg10: memref<!tpu.dma_semaphore, #tpu.memory_space<semaphore_mem>>, %arg11: memref<!tpu.dma_semaphore, #tpu.memory_space<semaphore_mem>>) attributes {dimension_semantics = [#tpu.dimension_semantics<core_parallel>, #tpu.dimension_semantics<subcore_parallel>], iteration_bounds = array<i64: 2, 16>, scalar_prefetch = 0 : i64, scratch_operands = 7 : i64, tpu.core_type = #tpu.core_type<sc_vector_subcore>, window_params = [{transform_indices = #map}, {transform_indices = #map1}, {transform_indices = #map}]} {
    %mul3A = arith.constant 2 : i32
    %mul3A_0 = arith.muli %arg1, %mul3A : i32
    %add3A = arith.addi %mul3A_0, %arg0 : i32
    %mul3A_1 = arith.constant 256 : i32
    %mul3A_2 = arith.muli %add3A, %mul3A_1 : i32
    %dma_start3A = arith.constant 0 : i32
    %dma_start3A_3 = tpu.memref_slice %arg3[%dma_start3A, %mul3A_2] : memref<17x8192xi32, #tpu.memory_space<hbm>> -> memref<17x256xi32, #tpu.memory_space<hbm>>
    %dma_start3A_4 = arith.constant 0 : i32
    %dma_start3A_5 = tpu.memref_slice %arg3[%dma_start3A_4, %mul3A_2] : memref<17x8192xi32, #tpu.memory_space<hbm>> -> memref<17x256xi32, #tpu.memory_space<hbm>>
    tpu.enqueue_dma source(%dma_start3A_5 : memref<17x256xi32, #tpu.memory_space<hbm>>) target(%arg5 : memref<17x256xi32, #tpu.memory_space<vmem>>) target_semaphore(%arg11 : memref<!tpu.dma_semaphore, #tpu.memory_space<semaphore_mem>>)
    %scan3A = arith.constant 0 : i32
    %scan3A_6 = arith.constant 0 : i32
    %scan3A_7 = arith.constant 16 : i32
    %scan3A_8 = arith.addi %scan3A_6, %scan3A_7 : i32
    %scan3A_9 = arith.constant 1 : i32
    scf.for %scan3A_446 = %scan3A_6 to %scan3A_8 step %scan3A_9  : i32 {
      %mul3A_447 = arith.constant 16 : i32
      %mul3A_448 = arith.muli %scan3A_446, %mul3A_447 : i32
      %add3A_449 = arith.addi %mul3A_2, %mul3A_448 : i32
      %iota3A = tpu.iota {dimensions = array<i32: 0>} : vector<16xi32>
      %add3A_450 = vector.broadcast %add3A_449 : i32 to vector<16xi32>
      %add3A_451 = arith.addi %add3A_450, %iota3A : vector<16xi32>
      %shift_right_arithmetic3A = arith.constant 3 : i32
      %shift_right_arithmetic3A_452 = vector.broadcast %shift_right_arithmetic3A : i32 to vector<16xi32>
      %shift_right_arithmetic3A_453 = arith.shrsi %add3A_451, %shift_right_arithmetic3A_452 : vector<16xi32>
      %shift_left3A = arith.constant 16 : i32
      %shift_left3A_454 = vector.broadcast %shift_left3A : i32 to vector<16xi32>
      %shift_left3A_455 = arith.shli %shift_right_arithmetic3A_453, %shift_left3A_454 : vector<16xi32>
      %and3A = arith.constant 7 : i32
      %and3A_456 = vector.broadcast %and3A : i32 to vector<16xi32>
      %and3A_457 = arith.andi %add3A_451, %and3A_456 : vector<16xi32>
      %shift_left3A_458 = arith.constant 7 : i32
      %shift_left3A_459 = vector.broadcast %shift_left3A_458 : i32 to vector<16xi32>
      %shift_left3A_460 = arith.shli %and3A_457, %shift_left3A_459 : vector<16xi32>
      %add3A_461 = arith.addi %shift_left3A_455, %shift_left3A_460 : vector<16xi32>
      %mul3A_462 = arith.constant 16 : i32
      %mul3A_463 = arith.muli %scan3A_446, %mul3A_462 : i32
      %swap3A = arith.index_cast %mul3A_463 : i32 to index
      %swap3A_464 = tpu.vector_load %arg6[%swap3A] {strides = array<i32>} : memref<256xi32, #tpu.memory_space<vmem>>, vector<16xi32>,
      tpu.vector_store %arg6[%swap3A], %add3A_461 {strides = array<i32>} : memref<256xi32, #tpu.memory_space<vmem>>, vector<16xi32>,
    }
    %scan3A_10 = arith.constant 16 : i32
    %dma_wait3A = arith.constant 0 : i32
    %dma_wait3A_11 = tpu.memref_slice %arg3[%dma_wait3A, %mul3A_2] : memref<17x8192xi32, #tpu.memory_space<hbm>> -> memref<17x256xi32, #tpu.memory_space<hbm>>
    %dma_wait3A_12 = arith.constant 0 : i32
    %dma_wait3A_13 = tpu.memref_slice %arg3[%dma_wait3A_12, %mul3A_2] : memref<17x8192xi32, #tpu.memory_space<hbm>> -> memref<17x256xi32, #tpu.memory_space<hbm>>
    tpu.wait_dma2 semaphore(%arg11 : memref<!tpu.dma_semaphore, #tpu.memory_space<semaphore_mem>>) src(%dma_wait3A_13 : memref<17x256xi32, #tpu.memory_space<hbm>>) dst(%arg5 : memref<17x256xi32, #tpu.memory_space<vmem>>)
    %scan3A_14 = arith.constant 0 : i32
    %scan3A_15 = arith.constant 0 : i32
    %scan3A_16 = arith.constant 8 : i32
    %scan3A_17 = arith.addi %scan3A_15, %scan3A_16 : i32
    %scan3A_18 = arith.constant 1 : i32
    scf.for %scan3A_446 = %scan3A_15 to %scan3A_17 step %scan3A_18  : i32 {
      %mul3A_447 = arith.constant 16 : i32
      %mul3A_448 = arith.muli %scan3A_446, %mul3A_447 : i32
      %add3A_449 = arith.constant 0 : i32
      %add3A_450 = arith.addi %add3A_449, %mul3A_448 : i32
      %get3A = arith.index_cast %add3A_450 : i32 to index
      %get3A_451 = tpu.vector_load %arg6[%get3A] {strides = array<i32>} : memref<256xi32, #tpu.memory_space<vmem>>, vector<16xi32>,
      %scan3A_452 = arith.constant 0 : i32
      %scan3A_453 = arith.constant 17 : i32
      %scan3A_454 = arith.addi %scan3A_452, %scan3A_453 : i32
      %scan3A_455 = arith.constant 1 : i32
      scf.for %scan3A_457 = %scan3A_452 to %scan3A_454 step %scan3A_455  : i32 {
        %get3A_458 = arith.index_cast %scan3A_457 : i32 to index
        %get3A_459 = arith.index_cast %add3A_450 : i32 to index
        %get3A_460 = tpu.vector_load %arg5[%get3A_458, %get3A_459] {strides = array<i32>} : memref<17x256xi32, #tpu.memory_space<vmem>>, vector<16xi32>,
        %shift_right_arithmetic3A = arith.constant 7 : i32
        %shift_right_arithmetic3A_461 = vector.broadcast %shift_right_arithmetic3A : i32 to vector<16xi32>
        %shift_right_arithmetic3A_462 = arith.shrsi %get3A_460, %shift_right_arithmetic3A_461 : vector<16xi32>
        %shift_left3A = arith.constant 10 : i32
        %shift_left3A_463 = vector.broadcast %shift_left3A : i32 to vector<16xi32>
        %shift_left3A_464 = arith.shli %shift_right_arithmetic3A_462, %shift_left3A_463 : vector<16xi32>
        %add3A_465 = arith.addi %get3A_451, %shift_left3A_464 : vector<16xi32>
        %and3A = arith.constant 127 : i32
        %and3A_466 = vector.broadcast %and3A : i32 to vector<16xi32>
        %and3A_467 = arith.andi %get3A_460, %and3A_466 : vector<16xi32>
        %add3A_468 = arith.addi %add3A_465, %and3A_467 : vector<16xi32>
        %mul3A_469 = arith.constant 128 : i32
        %mul3A_470 = arith.muli %scan3A_457, %mul3A_469 : i32
        %add3A_471 = arith.constant 0 : i32
        %add3A_472 = arith.addi %add3A_471, %mul3A_470 : i32
        %mul3A_473 = arith.constant 16 : i32
        %mul3A_474 = arith.muli %scan3A_446, %mul3A_473 : i32
        %add3A_475 = arith.addi %add3A_472, %mul3A_474 : i32
        %swap3A = arith.index_cast %add3A_475 : i32 to index
        %swap3A_476 = tpu.vector_load %arg7[%swap3A] {strides = array<i32>} : memref<4352xi32, #tpu.memory_space<vmem>>, vector<16xi32>,
        tpu.vector_store %arg7[%swap3A], %add3A_468 {strides = array<i32>} : memref<4352xi32, #tpu.memory_space<vmem>>, vector<16xi32>,
      }
      %scan3A_456 = arith.constant 17 : i32
    }
    %scan3A_19 = arith.constant 8 : i32
    %dma_start3A_20 = arith.constant 0 : i32
    %dma_start3A_21 = tpu.memref_slice %arg8[%dma_start3A_20] : memref<4352xf32, #tpu.memory_space<vmem>> -> memref<128xf32, #tpu.memory_space<vmem>>
    %dma_start3A_22 = arith.constant 0 : i32
    %dma_start3A_23 = tpu.memref_slice %arg7[%dma_start3A_22] : memref<4352xi32, #tpu.memory_space<vmem>> -> memref<128xi32, #tpu.memory_space<vmem>>
    %dma_start3A_24 = arith.constant 0 : i32
    %dma_start3A_25 = tpu.memref_slice %arg2[%dma_start3A_24] : memref<67108864xf32, #tpu.memory_space<hbm>> -> memref<67108864xf32, #tpu.memory_space<hbm>>
    tpu.enqueue_indirect_dma source(%dma_start3A_25 : memref<67108864xf32, #tpu.memory_space<hbm>>) target(%dma_start3A_21 : memref<128xf32, #tpu.memory_space<vmem>>) offsets(%dma_start3A_23 : memref<128xi32, #tpu.memory_space<vmem>>) semaphore(%arg10 : memref<!tpu.dma_semaphore, #tpu.memory_space<semaphore_mem>>)
    %dma_start3A_26 = arith.constant 128 : i32
    %dma_start3A_27 = tpu.memref_slice %arg8[%dma_start3A_26] : memref<4352xf32, #tpu.memory_space<vmem>> -> memref<128xf32, #tpu.memory_space<vmem>>
    %dma_start3A_28 = arith.constant 128 : i32
    %dma_start3A_29 = tpu.memref_slice %arg7[%dma_start3A_28] : memref<4352xi32, #tpu.memory_space<vmem>> -> memref<128xi32, #tpu.memory_space<vmem>>
    %dma_start3A_30 = arith.constant 0 : i32
    %dma_start3A_31 = tpu.memref_slice %arg2[%dma_start3A_30] : memref<67108864xf32, #tpu.memory_space<hbm>> -> memref<67108864xf32, #tpu.memory_space<hbm>>
    tpu.enqueue_indirect_dma source(%dma_start3A_31 : memref<67108864xf32, #tpu.memory_space<hbm>>) target(%dma_start3A_27 : memref<128xf32, #tpu.memory_space<vmem>>) offsets(%dma_start3A_29 : memref<128xi32, #tpu.memory_space<vmem>>) semaphore(%arg10 : memref<!tpu.dma_semaphore, #tpu.memory_space<semaphore_mem>>)
    %dma_start3A_32 = arith.constant 256 : i32
    %dma_start3A_33 = tpu.memref_slice %arg8[%dma_start3A_32] : memref<4352xf32, #tpu.memory_space<vmem>> -> memref<128xf32, #tpu.memory_space<vmem>>
    %dma_start3A_34 = arith.constant 256 : i32
    %dma_start3A_35 = tpu.memref_slice %arg7[%dma_start3A_34] : memref<4352xi32, #tpu.memory_space<vmem>> -> memref<128xi32, #tpu.memory_space<vmem>>
    %dma_start3A_36 = arith.constant 0 : i32
    %dma_start3A_37 = tpu.memref_slice %arg2[%dma_start3A_36] : memref<67108864xf32, #tpu.memory_space<hbm>> -> memref<67108864xf32, #tpu.memory_space<hbm>>
    tpu.enqueue_indirect_dma source(%dma_start3A_37 : memref<67108864xf32, #tpu.memory_space<hbm>>) target(%dma_start3A_33 : memref<128xf32, #tpu.memory_space<vmem>>) offsets(%dma_start3A_35 : memref<128xi32, #tpu.memory_space<vmem>>) semaphore(%arg10 : memref<!tpu.dma_semaphore, #tpu.memory_space<semaphore_mem>>)
    %dma_start3A_38 = arith.constant 384 : i32
    %dma_start3A_39 = tpu.memref_slice %arg8[%dma_start3A_38] : memref<4352xf32, #tpu.memory_space<vmem>> -> memref<128xf32, #tpu.memory_space<vmem>>
    %dma_start3A_40 = arith.constant 384 : i32
    %dma_start3A_41 = tpu.memref_slice %arg7[%dma_start3A_40] : memref<4352xi32, #tpu.memory_space<vmem>> -> memref<128xi32, #tpu.memory_space<vmem>>
    %dma_start3A_42 = arith.constant 0 : i32
    %dma_start3A_43 = tpu.memref_slice %arg2[%dma_start3A_42] : memref<67108864xf32, #tpu.memory_space<hbm>> -> memref<67108864xf32, #tpu.memory_space<hbm>>
    tpu.enqueue_indirect_dma source(%dma_start3A_43 : memref<67108864xf32, #tpu.memory_space<hbm>>) target(%dma_start3A_39 : memref<128xf32, #tpu.memory_space<vmem>>) offsets(%dma_start3A_41 : memref<128xi32, #tpu.memory_space<vmem>>) semaphore(%arg10 : memref<!tpu.dma_semaphore, #tpu.memory_space<semaphore_mem>>)
    %dma_start3A_44 = arith.constant 512 : i32
    %dma_start3A_45 = tpu.memref_slice %arg8[%dma_start3A_44] : memref<4352xf32, #tpu.memory_space<vmem>> -> memref<128xf32, #tpu.memory_space<vmem>>
    %dma_start3A_46 = arith.constant 512 : i32
    %dma_start3A_47 = tpu.memref_slice %arg7[%dma_start3A_46] : memref<4352xi32, #tpu.memory_space<vmem>> -> memref<128xi32, #tpu.memory_space<vmem>>
    %dma_start3A_48 = arith.constant 0 : i32
    %dma_start3A_49 = tpu.memref_slice %arg2[%dma_start3A_48] : memref<67108864xf32, #tpu.memory_space<hbm>> -> memref<67108864xf32, #tpu.memory_space<hbm>>
    tpu.enqueue_indirect_dma source(%dma_start3A_49 : memref<67108864xf32, #tpu.memory_space<hbm>>) target(%dma_start3A_45 : memref<128xf32, #tpu.memory_space<vmem>>) offsets(%dma_start3A_47 : memref<128xi32, #tpu.memory_space<vmem>>) semaphore(%arg10 : memref<!tpu.dma_semaphore, #tpu.memory_space<semaphore_mem>>)
    %dma_start3A_50 = arith.constant 640 : i32
    %dma_start3A_51 = tpu.memref_slice %arg8[%dma_start3A_50] : memref<4352xf32, #tpu.memory_space<vmem>> -> memref<128xf32, #tpu.memory_space<vmem>>
    %dma_start3A_52 = arith.constant 640 : i32
    %dma_start3A_53 = tpu.memref_slice %arg7[%dma_start3A_52] : memref<4352xi32, #tpu.memory_space<vmem>> -> memref<128xi32, #tpu.memory_space<vmem>>
    %dma_start3A_54 = arith.constant 0 : i32
    %dma_start3A_55 = tpu.memref_slice %arg2[%dma_start3A_54] : memref<67108864xf32, #tpu.memory_space<hbm>> -> memref<67108864xf32, #tpu.memory_space<hbm>>
    tpu.enqueue_indirect_dma source(%dma_start3A_55 : memref<67108864xf32, #tpu.memory_space<hbm>>) target(%dma_start3A_51 : memref<128xf32, #tpu.memory_space<vmem>>) offsets(%dma_start3A_53 : memref<128xi32, #tpu.memory_space<vmem>>) semaphore(%arg10 : memref<!tpu.dma_semaphore, #tpu.memory_space<semaphore_mem>>)
    %dma_start3A_56 = arith.constant 768 : i32
    %dma_start3A_57 = tpu.memref_slice %arg8[%dma_start3A_56] : memref<4352xf32, #tpu.memory_space<vmem>> -> memref<128xf32, #tpu.memory_space<vmem>>
    %dma_start3A_58 = arith.constant 768 : i32
    %dma_start3A_59 = tpu.memref_slice %arg7[%dma_start3A_58] : memref<4352xi32, #tpu.memory_space<vmem>> -> memref<128xi32, #tpu.memory_space<vmem>>
    %dma_start3A_60 = arith.constant 0 : i32
    %dma_start3A_61 = tpu.memref_slice %arg2[%dma_start3A_60] : memref<67108864xf32, #tpu.memory_space<hbm>> -> memref<67108864xf32, #tpu.memory_space<hbm>>
    tpu.enqueue_indirect_dma source(%dma_start3A_61 : memref<67108864xf32, #tpu.memory_space<hbm>>) target(%dma_start3A_57 : memref<128xf32, #tpu.memory_space<vmem>>) offsets(%dma_start3A_59 : memref<128xi32, #tpu.memory_space<vmem>>) semaphore(%arg10 : memref<!tpu.dma_semaphore, #tpu.memory_space<semaphore_mem>>)
    %dma_start3A_62 = arith.constant 896 : i32
    %dma_start3A_63 = tpu.memref_slice %arg8[%dma_start3A_62] : memref<4352xf32, #tpu.memory_space<vmem>> -> memref<128xf32, #tpu.memory_space<vmem>>
    %dma_start3A_64 = arith.constant 896 : i32
    %dma_start3A_65 = tpu.memref_slice %arg7[%dma_start3A_64] : memref<4352xi32, #tpu.memory_space<vmem>> -> memref<128xi32, #tpu.memory_space<vmem>>
    %dma_start3A_66 = arith.constant 0 : i32
    %dma_start3A_67 = tpu.memref_slice %arg2[%dma_start3A_66] : memref<67108864xf32, #tpu.memory_space<hbm>> -> memref<67108864xf32, #tpu.memory_space<hbm>>
    tpu.enqueue_indirect_dma source(%dma_start3A_67 : memref<67108864xf32, #tpu.memory_space<hbm>>) target(%dma_start3A_63 : memref<128xf32, #tpu.memory_space<vmem>>) offsets(%dma_start3A_65 : memref<128xi32, #tpu.memory_space<vmem>>) semaphore(%arg10 : memref<!tpu.dma_semaphore, #tpu.memory_space<semaphore_mem>>)
    %dma_start3A_68 = arith.constant 1024 : i32
    %dma_start3A_69 = tpu.memref_slice %arg8[%dma_start3A_68] : memref<4352xf32, #tpu.memory_space<vmem>> -> memref<128xf32, #tpu.memory_space<vmem>>
    %dma_start3A_70 = arith.constant 1024 : i32
    %dma_start3A_71 = tpu.memref_slice %arg7[%dma_start3A_70] : memref<4352xi32, #tpu.memory_space<vmem>> -> memref<128xi32, #tpu.memory_space<vmem>>
    %dma_start3A_72 = arith.constant 0 : i32
    %dma_start3A_73 = tpu.memref_slice %arg2[%dma_start3A_72] : memref<67108864xf32, #tpu.memory_space<hbm>> -> memref<67108864xf32, #tpu.memory_space<hbm>>
    tpu.enqueue_indirect_dma source(%dma_start3A_73 : memref<67108864xf32, #tpu.memory_space<hbm>>) target(%dma_start3A_69 : memref<128xf32, #tpu.memory_space<vmem>>) offsets(%dma_start3A_71 : memref<128xi32, #tpu.memory_space<vmem>>) semaphore(%arg10 : memref<!tpu.dma_semaphore, #tpu.memory_space<semaphore_mem>>)
    %dma_start3A_74 = arith.constant 1152 : i32
    %dma_start3A_75 = tpu.memref_slice %arg8[%dma_start3A_74] : memref<4352xf32, #tpu.memory_space<vmem>> -> memref<128xf32, #tpu.memory_space<vmem>>
    %dma_start3A_76 = arith.constant 1152 : i32
    %dma_start3A_77 = tpu.memref_slice %arg7[%dma_start3A_76] : memref<4352xi32, #tpu.memory_space<vmem>> -> memref<128xi32, #tpu.memory_space<vmem>>
    %dma_start3A_78 = arith.constant 0 : i32
    %dma_start3A_79 = tpu.memref_slice %arg2[%dma_start3A_78] : memref<67108864xf32, #tpu.memory_space<hbm>> -> memref<67108864xf32, #tpu.memory_space<hbm>>
    tpu.enqueue_indirect_dma source(%dma_start3A_79 : memref<67108864xf32, #tpu.memory_space<hbm>>) target(%dma_start3A_75 : memref<128xf32, #tpu.memory_space<vmem>>) offsets(%dma_start3A_77 : memref<128xi32, #tpu.memory_space<vmem>>) semaphore(%arg10 : memref<!tpu.dma_semaphore, #tpu.memory_space<semaphore_mem>>)
    %dma_start3A_80 = arith.constant 1280 : i32
    %dma_start3A_81 = tpu.memref_slice %arg8[%dma_start3A_80] : memref<4352xf32, #tpu.memory_space<vmem>> -> memref<128xf32, #tpu.memory_space<vmem>>
    %dma_start3A_82 = arith.constant 1280 : i32
    %dma_start3A_83 = tpu.memref_slice %arg7[%dma_start3A_82] : memref<4352xi32, #tpu.memory_space<vmem>> -> memref<128xi32, #tpu.memory_space<vmem>>
    %dma_start3A_84 = arith.constant 0 : i32
    %dma_start3A_85 = tpu.memref_slice %arg2[%dma_start3A_84] : memref<67108864xf32, #tpu.memory_space<hbm>> -> memref<67108864xf32, #tpu.memory_space<hbm>>
    tpu.enqueue_indirect_dma source(%dma_start3A_85 : memref<67108864xf32, #tpu.memory_space<hbm>>) target(%dma_start3A_81 : memref<128xf32, #tpu.memory_space<vmem>>) offsets(%dma_start3A_83 : memref<128xi32, #tpu.memory_space<vmem>>) semaphore(%arg10 : memref<!tpu.dma_semaphore, #tpu.memory_space<semaphore_mem>>)
    %dma_start3A_86 = arith.constant 1408 : i32
    %dma_start3A_87 = tpu.memref_slice %arg8[%dma_start3A_86] : memref<4352xf32, #tpu.memory_space<vmem>> -> memref<128xf32, #tpu.memory_space<vmem>>
    %dma_start3A_88 = arith.constant 1408 : i32
    %dma_start3A_89 = tpu.memref_slice %arg7[%dma_start3A_88] : memref<4352xi32, #tpu.memory_space<vmem>> -> memref<128xi32, #tpu.memory_space<vmem>>
    %dma_start3A_90 = arith.constant 0 : i32
    %dma_start3A_91 = tpu.memref_slice %arg2[%dma_start3A_90] : memref<67108864xf32, #tpu.memory_space<hbm>> -> memref<67108864xf32, #tpu.memory_space<hbm>>
    tpu.enqueue_indirect_dma source(%dma_start3A_91 : memref<67108864xf32, #tpu.memory_space<hbm>>) target(%dma_start3A_87 : memref<128xf32, #tpu.memory_space<vmem>>) offsets(%dma_start3A_89 : memref<128xi32, #tpu.memory_space<vmem>>) semaphore(%arg10 : memref<!tpu.dma_semaphore, #tpu.memory_space<semaphore_mem>>)
    %dma_start3A_92 = arith.constant 1536 : i32
    %dma_start3A_93 = tpu.memref_slice %arg8[%dma_start3A_92] : memref<4352xf32, #tpu.memory_space<vmem>> -> memref<128xf32, #tpu.memory_space<vmem>>
    %dma_start3A_94 = arith.constant 1536 : i32
    %dma_start3A_95 = tpu.memref_slice %arg7[%dma_start3A_94] : memref<4352xi32, #tpu.memory_space<vmem>> -> memref<128xi32, #tpu.memory_space<vmem>>
    %dma_start3A_96 = arith.constant 0 : i32
    %dma_start3A_97 = tpu.memref_slice %arg2[%dma_start3A_96] : memref<67108864xf32, #tpu.memory_space<hbm>> -> memref<67108864xf32, #tpu.memory_space<hbm>>
    tpu.enqueue_indirect_dma source(%dma_start3A_97 : memref<67108864xf32, #tpu.memory_space<hbm>>) target(%dma_start3A_93 : memref<128xf32, #tpu.memory_space<vmem>>) offsets(%dma_start3A_95 : memref<128xi32, #tpu.memory_space<vmem>>) semaphore(%arg10 : memref<!tpu.dma_semaphore, #tpu.memory_space<semaphore_mem>>)
    %dma_start3A_98 = arith.constant 1664 : i32
    %dma_start3A_99 = tpu.memref_slice %arg8[%dma_start3A_98] : memref<4352xf32, #tpu.memory_space<vmem>> -> memref<128xf32, #tpu.memory_space<vmem>>
    %dma_start3A_100 = arith.constant 1664 : i32
    %dma_start3A_101 = tpu.memref_slice %arg7[%dma_start3A_100] : memref<4352xi32, #tpu.memory_space<vmem>> -> memref<128xi32, #tpu.memory_space<vmem>>
    %dma_start3A_102 = arith.constant 0 : i32
    %dma_start3A_103 = tpu.memref_slice %arg2[%dma_start3A_102] : memref<67108864xf32, #tpu.memory_space<hbm>> -> memref<67108864xf32, #tpu.memory_space<hbm>>
    tpu.enqueue_indirect_dma source(%dma_start3A_103 : memref<67108864xf32, #tpu.memory_space<hbm>>) target(%dma_start3A_99 : memref<128xf32, #tpu.memory_space<vmem>>) offsets(%dma_start3A_101 : memref<128xi32, #tpu.memory_space<vmem>>) semaphore(%arg10 : memref<!tpu.dma_semaphore, #tpu.memory_space<semaphore_mem>>)
    %dma_start3A_104 = arith.constant 1792 : i32
    %dma_start3A_105 = tpu.memref_slice %arg8[%dma_start3A_104] : memref<4352xf32, #tpu.memory_space<vmem>> -> memref<128xf32, #tpu.memory_space<vmem>>
    %dma_start3A_106 = arith.constant 1792 : i32
    %dma_start3A_107 = tpu.memref_slice %arg7[%dma_start3A_106] : memref<4352xi32, #tpu.memory_space<vmem>> -> memref<128xi32, #tpu.memory_space<vmem>>
    %dma_start3A_108 = arith.constant 0 : i32
    %dma_start3A_109 = tpu.memref_slice %arg2[%dma_start3A_108] : memref<67108864xf32, #tpu.memory_space<hbm>> -> memref<67108864xf32, #tpu.memory_space<hbm>>
    tpu.enqueue_indirect_dma source(%dma_start3A_109 : memref<67108864xf32, #tpu.memory_space<hbm>>) target(%dma_start3A_105 : memref<128xf32, #tpu.memory_space<vmem>>) offsets(%dma_start3A_107 : memref<128xi32, #tpu.memory_space<vmem>>) semaphore(%arg10 : memref<!tpu.dma_semaphore, #tpu.memory_space<semaphore_mem>>)
    %dma_start3A_110 = arith.constant 1920 : i32
    %dma_start3A_111 = tpu.memref_slice %arg8[%dma_start3A_110] : memref<4352xf32, #tpu.memory_space<vmem>> -> memref<128xf32, #tpu.memory_space<vmem>>
    %dma_start3A_112 = arith.constant 1920 : i32
    %dma_start3A_113 = tpu.memref_slice %arg7[%dma_start3A_112] : memref<4352xi32, #tpu.memory_space<vmem>> -> memref<128xi32, #tpu.memory_space<vmem>>
    %dma_start3A_114 = arith.constant 0 : i32
    %dma_start3A_115 = tpu.memref_slice %arg2[%dma_start3A_114] : memref<67108864xf32, #tpu.memory_space<hbm>> -> memref<67108864xf32, #tpu.memory_space<hbm>>
    tpu.enqueue_indirect_dma source(%dma_start3A_115 : memref<67108864xf32, #tpu.memory_space<hbm>>) target(%dma_start3A_111 : memref<128xf32, #tpu.memory_space<vmem>>) offsets(%dma_start3A_113 : memref<128xi32, #tpu.memory_space<vmem>>) semaphore(%arg10 : memref<!tpu.dma_semaphore, #tpu.memory_space<semaphore_mem>>)
    %dma_start3A_116 = arith.constant 2048 : i32
    %dma_start3A_117 = tpu.memref_slice %arg8[%dma_start3A_116] : memref<4352xf32, #tpu.memory_space<vmem>> -> memref<128xf32, #tpu.memory_space<vmem>>
    %dma_start3A_118 = arith.constant 2048 : i32
    %dma_start3A_119 = tpu.memref_slice %arg7[%dma_start3A_118] : memref<4352xi32, #tpu.memory_space<vmem>> -> memref<128xi32, #tpu.memory_space<vmem>>
    %dma_start3A_120 = arith.constant 0 : i32
    %dma_start3A_121 = tpu.memref_slice %arg2[%dma_start3A_120] : memref<67108864xf32, #tpu.memory_space<hbm>> -> memref<67108864xf32, #tpu.memory_space<hbm>>
    tpu.enqueue_indirect_dma source(%dma_start3A_121 : memref<67108864xf32, #tpu.memory_space<hbm>>) target(%dma_start3A_117 : memref<128xf32, #tpu.memory_space<vmem>>) offsets(%dma_start3A_119 : memref<128xi32, #tpu.memory_space<vmem>>) semaphore(%arg10 : memref<!tpu.dma_semaphore, #tpu.memory_space<semaphore_mem>>)
    %scan3A_122 = arith.constant 0 : i32
    %scan3A_123 = arith.constant 0 : i32
    %scan3A_124 = arith.constant 8 : i32
    %scan3A_125 = arith.addi %scan3A_123, %scan3A_124 : i32
    %scan3A_126 = arith.constant 1 : i32
    scf.for %scan3A_446 = %scan3A_123 to %scan3A_125 step %scan3A_126  : i32 {
      %mul3A_447 = arith.constant 16 : i32
      %mul3A_448 = arith.muli %scan3A_446, %mul3A_447 : i32
      %add3A_449 = arith.constant 128 : i32
      %add3A_450 = arith.addi %add3A_449, %mul3A_448 : i32
      %get3A = arith.index_cast %add3A_450 : i32 to index
      %get3A_451 = tpu.vector_load %arg6[%get3A] {strides = array<i32>} : memref<256xi32, #tpu.memory_space<vmem>>, vector<16xi32>,
      %scan3A_452 = arith.constant 0 : i32
      %scan3A_453 = arith.constant 17 : i32
      %scan3A_454 = arith.addi %scan3A_452, %scan3A_453 : i32
      %scan3A_455 = arith.constant 1 : i32
      scf.for %scan3A_457 = %scan3A_452 to %scan3A_454 step %scan3A_455  : i32 {
        %get3A_458 = arith.index_cast %scan3A_457 : i32 to index
        %get3A_459 = arith.index_cast %add3A_450 : i32 to index
        %get3A_460 = tpu.vector_load %arg5[%get3A_458, %get3A_459] {strides = array<i32>} : memref<17x256xi32, #tpu.memory_space<vmem>>, vector<16xi32>,
        %shift_right_arithmetic3A = arith.constant 7 : i32
        %shift_right_arithmetic3A_461 = vector.broadcast %shift_right_arithmetic3A : i32 to vector<16xi32>
        %shift_right_arithmetic3A_462 = arith.shrsi %get3A_460, %shift_right_arithmetic3A_461 : vector<16xi32>
        %shift_left3A = arith.constant 10 : i32
        %shift_left3A_463 = vector.broadcast %shift_left3A : i32 to vector<16xi32>
        %shift_left3A_464 = arith.shli %shift_right_arithmetic3A_462, %shift_left3A_463 : vector<16xi32>
        %add3A_465 = arith.addi %get3A_451, %shift_left3A_464 : vector<16xi32>
        %and3A = arith.constant 127 : i32
        %and3A_466 = vector.broadcast %and3A : i32 to vector<16xi32>
        %and3A_467 = arith.andi %get3A_460, %and3A_466 : vector<16xi32>
        %add3A_468 = arith.addi %add3A_465, %and3A_467 : vector<16xi32>
        %mul3A_469 = arith.constant 128 : i32
        %mul3A_470 = arith.muli %scan3A_457, %mul3A_469 : i32
        %add3A_471 = arith.constant 2176 : i32
        %add3A_472 = arith.addi %add3A_471, %mul3A_470 : i32
        %mul3A_473 = arith.constant 16 : i32
        %mul3A_474 = arith.muli %scan3A_446, %mul3A_473 : i32
        %add3A_475 = arith.addi %add3A_472, %mul3A_474 : i32
        %swap3A = arith.index_cast %add3A_475 : i32 to index
        %swap3A_476 = tpu.vector_load %arg7[%swap3A] {strides = array<i32>} : memref<4352xi32, #tpu.memory_space<vmem>>, vector<16xi32>,
        tpu.vector_store %arg7[%swap3A], %add3A_468 {strides = array<i32>} : memref<4352xi32, #tpu.memory_space<vmem>>, vector<16xi32>,
      }
      %scan3A_456 = arith.constant 17 : i32
    }
    %scan3A_127 = arith.constant 8 : i32
    %dma_start3A_128 = arith.constant 2176 : i32
    %dma_start3A_129 = tpu.memref_slice %arg8[%dma_start3A_128] : memref<4352xf32, #tpu.memory_space<vmem>> -> memref<128xf32, #tpu.memory_space<vmem>>
    %dma_start3A_130 = arith.constant 2176 : i32
    %dma_start3A_131 = tpu.memref_slice %arg7[%dma_start3A_130] : memref<4352xi32, #tpu.memory_space<vmem>> -> memref<128xi32, #tpu.memory_space<vmem>>
    %dma_start3A_132 = arith.constant 0 : i32
    %dma_start3A_133 = tpu.memref_slice %arg2[%dma_start3A_132] : memref<67108864xf32, #tpu.memory_space<hbm>> -> memref<67108864xf32, #tpu.memory_space<hbm>>
    tpu.enqueue_indirect_dma source(%dma_start3A_133 : memref<67108864xf32, #tpu.memory_space<hbm>>) target(%dma_start3A_129 : memref<128xf32, #tpu.memory_space<vmem>>) offsets(%dma_start3A_131 : memref<128xi32, #tpu.memory_space<vmem>>) semaphore(%arg10 : memref<!tpu.dma_semaphore, #tpu.memory_space<semaphore_mem>>)
    %dma_start3A_134 = arith.constant 2304 : i32
    %dma_start3A_135 = tpu.memref_slice %arg8[%dma_start3A_134] : memref<4352xf32, #tpu.memory_space<vmem>> -> memref<128xf32, #tpu.memory_space<vmem>>
    %dma_start3A_136 = arith.constant 2304 : i32
    %dma_start3A_137 = tpu.memref_slice %arg7[%dma_start3A_136] : memref<4352xi32, #tpu.memory_space<vmem>> -> memref<128xi32, #tpu.memory_space<vmem>>
    %dma_start3A_138 = arith.constant 0 : i32
    %dma_start3A_139 = tpu.memref_slice %arg2[%dma_start3A_138] : memref<67108864xf32, #tpu.memory_space<hbm>> -> memref<67108864xf32, #tpu.memory_space<hbm>>
    tpu.enqueue_indirect_dma source(%dma_start3A_139 : memref<67108864xf32, #tpu.memory_space<hbm>>) target(%dma_start3A_135 : memref<128xf32, #tpu.memory_space<vmem>>) offsets(%dma_start3A_137 : memref<128xi32, #tpu.memory_space<vmem>>) semaphore(%arg10 : memref<!tpu.dma_semaphore, #tpu.memory_space<semaphore_mem>>)
    %dma_start3A_140 = arith.constant 2432 : i32
    %dma_start3A_141 = tpu.memref_slice %arg8[%dma_start3A_140] : memref<4352xf32, #tpu.memory_space<vmem>> -> memref<128xf32, #tpu.memory_space<vmem>>
    %dma_start3A_142 = arith.constant 2432 : i32
    %dma_start3A_143 = tpu.memref_slice %arg7[%dma_start3A_142] : memref<4352xi32, #tpu.memory_space<vmem>> -> memref<128xi32, #tpu.memory_space<vmem>>
    %dma_start3A_144 = arith.constant 0 : i32
    %dma_start3A_145 = tpu.memref_slice %arg2[%dma_start3A_144] : memref<67108864xf32, #tpu.memory_space<hbm>> -> memref<67108864xf32, #tpu.memory_space<hbm>>
    tpu.enqueue_indirect_dma source(%dma_start3A_145 : memref<67108864xf32, #tpu.memory_space<hbm>>) target(%dma_start3A_141 : memref<128xf32, #tpu.memory_space<vmem>>) offsets(%dma_start3A_143 : memref<128xi32, #tpu.memory_space<vmem>>) semaphore(%arg10 : memref<!tpu.dma_semaphore, #tpu.memory_space<semaphore_mem>>)
    %dma_start3A_146 = arith.constant 2560 : i32
    %dma_start3A_147 = tpu.memref_slice %arg8[%dma_start3A_146] : memref<4352xf32, #tpu.memory_space<vmem>> -> memref<128xf32, #tpu.memory_space<vmem>>
    %dma_start3A_148 = arith.constant 2560 : i32
    %dma_start3A_149 = tpu.memref_slice %arg7[%dma_start3A_148] : memref<4352xi32, #tpu.memory_space<vmem>> -> memref<128xi32, #tpu.memory_space<vmem>>
    %dma_start3A_150 = arith.constant 0 : i32
    %dma_start3A_151 = tpu.memref_slice %arg2[%dma_start3A_150] : memref<67108864xf32, #tpu.memory_space<hbm>> -> memref<67108864xf32, #tpu.memory_space<hbm>>
    tpu.enqueue_indirect_dma source(%dma_start3A_151 : memref<67108864xf32, #tpu.memory_space<hbm>>) target(%dma_start3A_147 : memref<128xf32, #tpu.memory_space<vmem>>) offsets(%dma_start3A_149 : memref<128xi32, #tpu.memory_space<vmem>>) semaphore(%arg10 : memref<!tpu.dma_semaphore, #tpu.memory_space<semaphore_mem>>)
    %dma_start3A_152 = arith.constant 2688 : i32
    %dma_start3A_153 = tpu.memref_slice %arg8[%dma_start3A_152] : memref<4352xf32, #tpu.memory_space<vmem>> -> memref<128xf32, #tpu.memory_space<vmem>>
    %dma_start3A_154 = arith.constant 2688 : i32
    %dma_start3A_155 = tpu.memref_slice %arg7[%dma_start3A_154] : memref<4352xi32, #tpu.memory_space<vmem>> -> memref<128xi32, #tpu.memory_space<vmem>>
    %dma_start3A_156 = arith.constant 0 : i32
    %dma_start3A_157 = tpu.memref_slice %arg2[%dma_start3A_156] : memref<67108864xf32, #tpu.memory_space<hbm>> -> memref<67108864xf32, #tpu.memory_space<hbm>>
    tpu.enqueue_indirect_dma source(%dma_start3A_157 : memref<67108864xf32, #tpu.memory_space<hbm>>) target(%dma_start3A_153 : memref<128xf32, #tpu.memory_space<vmem>>) offsets(%dma_start3A_155 : memref<128xi32, #tpu.memory_space<vmem>>) semaphore(%arg10 : memref<!tpu.dma_semaphore, #tpu.memory_space<semaphore_mem>>)
    %dma_start3A_158 = arith.constant 2816 : i32
    %dma_start3A_159 = tpu.memref_slice %arg8[%dma_start3A_158] : memref<4352xf32, #tpu.memory_space<vmem>> -> memref<128xf32, #tpu.memory_space<vmem>>
    %dma_start3A_160 = arith.constant 2816 : i32
    %dma_start3A_161 = tpu.memref_slice %arg7[%dma_start3A_160] : memref<4352xi32, #tpu.memory_space<vmem>> -> memref<128xi32, #tpu.memory_space<vmem>>
    %dma_start3A_162 = arith.constant 0 : i32
    %dma_start3A_163 = tpu.memref_slice %arg2[%dma_start3A_162] : memref<67108864xf32, #tpu.memory_space<hbm>> -> memref<67108864xf32, #tpu.memory_space<hbm>>
    tpu.enqueue_indirect_dma source(%dma_start3A_163 : memref<67108864xf32, #tpu.memory_space<hbm>>) target(%dma_start3A_159 : memref<128xf32, #tpu.memory_space<vmem>>) offsets(%dma_start3A_161 : memref<128xi32, #tpu.memory_space<vmem>>) semaphore(%arg10 : memref<!tpu.dma_semaphore, #tpu.memory_space<semaphore_mem>>)
    %dma_start3A_164 = arith.constant 2944 : i32
    %dma_start3A_165 = tpu.memref_slice %arg8[%dma_start3A_164] : memref<4352xf32, #tpu.memory_space<vmem>> -> memref<128xf32, #tpu.memory_space<vmem>>
    %dma_start3A_166 = arith.constant 2944 : i32
    %dma_start3A_167 = tpu.memref_slice %arg7[%dma_start3A_166] : memref<4352xi32, #tpu.memory_space<vmem>> -> memref<128xi32, #tpu.memory_space<vmem>>
    %dma_start3A_168 = arith.constant 0 : i32
    %dma_start3A_169 = tpu.memref_slice %arg2[%dma_start3A_168] : memref<67108864xf32, #tpu.memory_space<hbm>> -> memref<67108864xf32, #tpu.memory_space<hbm>>
    tpu.enqueue_indirect_dma source(%dma_start3A_169 : memref<67108864xf32, #tpu.memory_space<hbm>>) target(%dma_start3A_165 : memref<128xf32, #tpu.memory_space<vmem>>) offsets(%dma_start3A_167 : memref<128xi32, #tpu.memory_space<vmem>>) semaphore(%arg10 : memref<!tpu.dma_semaphore, #tpu.memory_space<semaphore_mem>>)
    %dma_start3A_170 = arith.constant 3072 : i32
    %dma_start3A_171 = tpu.memref_slice %arg8[%dma_start3A_170] : memref<4352xf32, #tpu.memory_space<vmem>> -> memref<128xf32, #tpu.memory_space<vmem>>
    %dma_start3A_172 = arith.constant 3072 : i32
    %dma_start3A_173 = tpu.memref_slice %arg7[%dma_start3A_172] : memref<4352xi32, #tpu.memory_space<vmem>> -> memref<128xi32, #tpu.memory_space<vmem>>
    %dma_start3A_174 = arith.constant 0 : i32
    %dma_start3A_175 = tpu.memref_slice %arg2[%dma_start3A_174] : memref<67108864xf32, #tpu.memory_space<hbm>> -> memref<67108864xf32, #tpu.memory_space<hbm>>
    tpu.enqueue_indirect_dma source(%dma_start3A_175 : memref<67108864xf32, #tpu.memory_space<hbm>>) target(%dma_start3A_171 : memref<128xf32, #tpu.memory_space<vmem>>) offsets(%dma_start3A_173 : memref<128xi32, #tpu.memory_space<vmem>>) semaphore(%arg10 : memref<!tpu.dma_semaphore, #tpu.memory_space<semaphore_mem>>)
    %dma_start3A_176 = arith.constant 3200 : i32
    %dma_start3A_177 = tpu.memref_slice %arg8[%dma_start3A_176] : memref<4352xf32, #tpu.memory_space<vmem>> -> memref<128xf32, #tpu.memory_space<vmem>>
    %dma_start3A_178 = arith.constant 3200 : i32
    %dma_start3A_179 = tpu.memref_slice %arg7[%dma_start3A_178] : memref<4352xi32, #tpu.memory_space<vmem>> -> memref<128xi32, #tpu.memory_space<vmem>>
    %dma_start3A_180 = arith.constant 0 : i32
    %dma_start3A_181 = tpu.memref_slice %arg2[%dma_start3A_180] : memref<67108864xf32, #tpu.memory_space<hbm>> -> memref<67108864xf32, #tpu.memory_space<hbm>>
    tpu.enqueue_indirect_dma source(%dma_start3A_181 : memref<67108864xf32, #tpu.memory_space<hbm>>) target(%dma_start3A_177 : memref<128xf32, #tpu.memory_space<vmem>>) offsets(%dma_start3A_179 : memref<128xi32, #tpu.memory_space<vmem>>) semaphore(%arg10 : memref<!tpu.dma_semaphore, #tpu.memory_space<semaphore_mem>>)
    %dma_start3A_182 = arith.constant 3328 : i32
    %dma_start3A_183 = tpu.memref_slice %arg8[%dma_start3A_182] : memref<4352xf32, #tpu.memory_space<vmem>> -> memref<128xf32, #tpu.memory_space<vmem>>
    %dma_start3A_184 = arith.constant 3328 : i32
    %dma_start3A_185 = tpu.memref_slice %arg7[%dma_start3A_184] : memref<4352xi32, #tpu.memory_space<vmem>> -> memref<128xi32, #tpu.memory_space<vmem>>
    %dma_start3A_186 = arith.constant 0 : i32
    %dma_start3A_187 = tpu.memref_slice %arg2[%dma_start3A_186] : memref<67108864xf32, #tpu.memory_space<hbm>> -> memref<67108864xf32, #tpu.memory_space<hbm>>
    tpu.enqueue_indirect_dma source(%dma_start3A_187 : memref<67108864xf32, #tpu.memory_space<hbm>>) target(%dma_start3A_183 : memref<128xf32, #tpu.memory_space<vmem>>) offsets(%dma_start3A_185 : memref<128xi32, #tpu.memory_space<vmem>>) semaphore(%arg10 : memref<!tpu.dma_semaphore, #tpu.memory_space<semaphore_mem>>)
    %dma_start3A_188 = arith.constant 3456 : i32
    %dma_start3A_189 = tpu.memref_slice %arg8[%dma_start3A_188] : memref<4352xf32, #tpu.memory_space<vmem>> -> memref<128xf32, #tpu.memory_space<vmem>>
    %dma_start3A_190 = arith.constant 3456 : i32
    %dma_start3A_191 = tpu.memref_slice %arg7[%dma_start3A_190] : memref<4352xi32, #tpu.memory_space<vmem>> -> memref<128xi32, #tpu.memory_space<vmem>>
    %dma_start3A_192 = arith.constant 0 : i32
    %dma_start3A_193 = tpu.memref_slice %arg2[%dma_start3A_192] : memref<67108864xf32, #tpu.memory_space<hbm>> -> memref<67108864xf32, #tpu.memory_space<hbm>>
    tpu.enqueue_indirect_dma source(%dma_start3A_193 : memref<67108864xf32, #tpu.memory_space<hbm>>) target(%dma_start3A_189 : memref<128xf32, #tpu.memory_space<vmem>>) offsets(%dma_start3A_191 : memref<128xi32, #tpu.memory_space<vmem>>) semaphore(%arg10 : memref<!tpu.dma_semaphore, #tpu.memory_space<semaphore_mem>>)
    %dma_start3A_194 = arith.constant 3584 : i32
    %dma_start3A_195 = tpu.memref_slice %arg8[%dma_start3A_194] : memref<4352xf32, #tpu.memory_space<vmem>> -> memref<128xf32, #tpu.memory_space<vmem>>
    %dma_start3A_196 = arith.constant 3584 : i32
    %dma_start3A_197 = tpu.memref_slice %arg7[%dma_start3A_196] : memref<4352xi32, #tpu.memory_space<vmem>> -> memref<128xi32, #tpu.memory_space<vmem>>
    %dma_start3A_198 = arith.constant 0 : i32
    %dma_start3A_199 = tpu.memref_slice %arg2[%dma_start3A_198] : memref<67108864xf32, #tpu.memory_space<hbm>> -> memref<67108864xf32, #tpu.memory_space<hbm>>
    tpu.enqueue_indirect_dma source(%dma_start3A_199 : memref<67108864xf32, #tpu.memory_space<hbm>>) target(%dma_start3A_195 : memref<128xf32, #tpu.memory_space<vmem>>) offsets(%dma_start3A_197 : memref<128xi32, #tpu.memory_space<vmem>>) semaphore(%arg10 : memref<!tpu.dma_semaphore, #tpu.memory_space<semaphore_mem>>)
    %dma_start3A_200 = arith.constant 3712 : i32
    %dma_start3A_201 = tpu.memref_slice %arg8[%dma_start3A_200] : memref<4352xf32, #tpu.memory_space<vmem>> -> memref<128xf32, #tpu.memory_space<vmem>>
    %dma_start3A_202 = arith.constant 3712 : i32
    %dma_start3A_203 = tpu.memref_slice %arg7[%dma_start3A_202] : memref<4352xi32, #tpu.memory_space<vmem>> -> memref<128xi32, #tpu.memory_space<vmem>>
    %dma_start3A_204 = arith.constant 0 : i32
    %dma_start3A_205 = tpu.memref_slice %arg2[%dma_start3A_204] : memref<67108864xf32, #tpu.memory_space<hbm>> -> memref<67108864xf32, #tpu.memory_space<hbm>>
    tpu.enqueue_indirect_dma source(%dma_start3A_205 : memref<67108864xf32, #tpu.memory_space<hbm>>) target(%dma_start3A_201 : memref<128xf32, #tpu.memory_space<vmem>>) offsets(%dma_start3A_203 : memref<128xi32, #tpu.memory_space<vmem>>) semaphore(%arg10 : memref<!tpu.dma_semaphore, #tpu.memory_space<semaphore_mem>>)
    %dma_start3A_206 = arith.constant 3840 : i32
    %dma_start3A_207 = tpu.memref_slice %arg8[%dma_start3A_206] : memref<4352xf32, #tpu.memory_space<vmem>> -> memref<128xf32, #tpu.memory_space<vmem>>
    %dma_start3A_208 = arith.constant 3840 : i32
    %dma_start3A_209 = tpu.memref_slice %arg7[%dma_start3A_208] : memref<4352xi32, #tpu.memory_space<vmem>> -> memref<128xi32, #tpu.memory_space<vmem>>
    %dma_start3A_210 = arith.constant 0 : i32
    %dma_start3A_211 = tpu.memref_slice %arg2[%dma_start3A_210] : memref<67108864xf32, #tpu.memory_space<hbm>> -> memref<67108864xf32, #tpu.memory_space<hbm>>
    tpu.enqueue_indirect_dma source(%dma_start3A_211 : memref<67108864xf32, #tpu.memory_space<hbm>>) target(%dma_start3A_207 : memref<128xf32, #tpu.memory_space<vmem>>) offsets(%dma_start3A_209 : memref<128xi32, #tpu.memory_space<vmem>>) semaphore(%arg10 : memref<!tpu.dma_semaphore, #tpu.memory_space<semaphore_mem>>)
    %dma_start3A_212 = arith.constant 3968 : i32
    %dma_start3A_213 = tpu.memref_slice %arg8[%dma_start3A_212] : memref<4352xf32, #tpu.memory_space<vmem>> -> memref<128xf32, #tpu.memory_space<vmem>>
    %dma_start3A_214 = arith.constant 3968 : i32
    %dma_start3A_215 = tpu.memref_slice %arg7[%dma_start3A_214] : memref<4352xi32, #tpu.memory_space<vmem>> -> memref<128xi32, #tpu.memory_space<vmem>>
    %dma_start3A_216 = arith.constant 0 : i32
    %dma_start3A_217 = tpu.memref_slice %arg2[%dma_start3A_216] : memref<67108864xf32, #tpu.memory_space<hbm>> -> memref<67108864xf32, #tpu.memory_space<hbm>>
    tpu.enqueue_indirect_dma source(%dma_start3A_217 : memref<67108864xf32, #tpu.memory_space<hbm>>) target(%dma_start3A_213 : memref<128xf32, #tpu.memory_space<vmem>>) offsets(%dma_start3A_215 : memref<128xi32, #tpu.memory_space<vmem>>) semaphore(%arg10 : memref<!tpu.dma_semaphore, #tpu.memory_space<semaphore_mem>>)
    %dma_start3A_218 = arith.constant 4096 : i32
    %dma_start3A_219 = tpu.memref_slice %arg8[%dma_start3A_218] : memref<4352xf32, #tpu.memory_space<vmem>> -> memref<128xf32, #tpu.memory_space<vmem>>
    %dma_start3A_220 = arith.constant 4096 : i32
    %dma_start3A_221 = tpu.memref_slice %arg7[%dma_start3A_220] : memref<4352xi32, #tpu.memory_space<vmem>> -> memref<128xi32, #tpu.memory_space<vmem>>
    %dma_start3A_222 = arith.constant 0 : i32
    %dma_start3A_223 = tpu.memref_slice %arg2[%dma_start3A_222] : memref<67108864xf32, #tpu.memory_space<hbm>> -> memref<67108864xf32, #tpu.memory_space<hbm>>
    tpu.enqueue_indirect_dma source(%dma_start3A_223 : memref<67108864xf32, #tpu.memory_space<hbm>>) target(%dma_start3A_219 : memref<128xf32, #tpu.memory_space<vmem>>) offsets(%dma_start3A_221 : memref<128xi32, #tpu.memory_space<vmem>>) semaphore(%arg10 : memref<!tpu.dma_semaphore, #tpu.memory_space<semaphore_mem>>)
    %dma_start3A_224 = arith.constant 4224 : i32
    %dma_start3A_225 = tpu.memref_slice %arg8[%dma_start3A_224] : memref<4352xf32, #tpu.memory_space<vmem>> -> memref<128xf32, #tpu.memory_space<vmem>>
    %dma_start3A_226 = arith.constant 4224 : i32
    %dma_start3A_227 = tpu.memref_slice %arg7[%dma_start3A_226] : memref<4352xi32, #tpu.memory_space<vmem>> -> memref<128xi32, #tpu.memory_space<vmem>>
    %dma_start3A_228 = arith.constant 0 : i32
    %dma_start3A_229 = tpu.memref_slice %arg2[%dma_start3A_228] : memref<67108864xf32, #tpu.memory_space<hbm>> -> memref<67108864xf32, #tpu.memory_space<hbm>>
    tpu.enqueue_indirect_dma source(%dma_start3A_229 : memref<67108864xf32, #tpu.memory_space<hbm>>) target(%dma_start3A_225 : memref<128xf32, #tpu.memory_space<vmem>>) offsets(%dma_start3A_227 : memref<128xi32, #tpu.memory_space<vmem>>) semaphore(%arg10 : memref<!tpu.dma_semaphore, #tpu.memory_space<semaphore_mem>>)
    %dma_wait3A_230 = arith.constant 0 : i32
    %dma_wait3A_231 = tpu.memref_slice %arg8[%dma_wait3A_230] : memref<4352xf32, #tpu.memory_space<vmem>> -> memref<128xf32, #tpu.memory_space<vmem>>
    %dma_wait3A_232 = arith.constant 0 : i32
    %dma_wait3A_233 = tpu.memref_slice %arg7[%dma_wait3A_232] : memref<4352xi32, #tpu.memory_space<vmem>> -> memref<128xi32, #tpu.memory_space<vmem>>
    %dma_wait3A_234 = arith.constant 0 : i32
    %dma_wait3A_235 = tpu.memref_slice %arg2[%dma_wait3A_234] : memref<67108864xf32, #tpu.memory_space<hbm>> -> memref<67108864xf32, #tpu.memory_space<hbm>>
    tpu.wait_indirect_dma semaphore(%arg10 : memref<!tpu.dma_semaphore, #tpu.memory_space<semaphore_mem>>) src(%dma_wait3A_235 : memref<67108864xf32, #tpu.memory_space<hbm>>) dst(%dma_wait3A_231 : memref<128xf32, #tpu.memory_space<vmem>>)
    %dma_wait3A_236 = arith.constant 128 : i32
    %dma_wait3A_237 = tpu.memref_slice %arg8[%dma_wait3A_236] : memref<4352xf32, #tpu.memory_space<vmem>> -> memref<128xf32, #tpu.memory_space<vmem>>
    %dma_wait3A_238 = arith.constant 128 : i32
    %dma_wait3A_239 = tpu.memref_slice %arg7[%dma_wait3A_238] : memref<4352xi32, #tpu.memory_space<vmem>> -> memref<128xi32, #tpu.memory_space<vmem>>
    %dma_wait3A_240 = arith.constant 0 : i32
    %dma_wait3A_241 = tpu.memref_slice %arg2[%dma_wait3A_240] : memref<67108864xf32, #tpu.memory_space<hbm>> -> memref<67108864xf32, #tpu.memory_space<hbm>>
    tpu.wait_indirect_dma semaphore(%arg10 : memref<!tpu.dma_semaphore, #tpu.memory_space<semaphore_mem>>) src(%dma_wait3A_241 : memref<67108864xf32, #tpu.memory_space<hbm>>) dst(%dma_wait3A_237 : memref<128xf32, #tpu.memory_space<vmem>>)
    %dma_wait3A_242 = arith.constant 256 : i32
    %dma_wait3A_243 = tpu.memref_slice %arg8[%dma_wait3A_242] : memref<4352xf32, #tpu.memory_space<vmem>> -> memref<128xf32, #tpu.memory_space<vmem>>
    %dma_wait3A_244 = arith.constant 256 : i32
    %dma_wait3A_245 = tpu.memref_slice %arg7[%dma_wait3A_244] : memref<4352xi32, #tpu.memory_space<vmem>> -> memref<128xi32, #tpu.memory_space<vmem>>
    %dma_wait3A_246 = arith.constant 0 : i32
    %dma_wait3A_247 = tpu.memref_slice %arg2[%dma_wait3A_246] : memref<67108864xf32, #tpu.memory_space<hbm>> -> memref<67108864xf32, #tpu.memory_space<hbm>>
    tpu.wait_indirect_dma semaphore(%arg10 : memref<!tpu.dma_semaphore, #tpu.memory_space<semaphore_mem>>) src(%dma_wait3A_247 : memref<67108864xf32, #tpu.memory_space<hbm>>) dst(%dma_wait3A_243 : memref<128xf32, #tpu.memory_space<vmem>>)
    %dma_wait3A_248 = arith.constant 384 : i32
    %dma_wait3A_249 = tpu.memref_slice %arg8[%dma_wait3A_248] : memref<4352xf32, #tpu.memory_space<vmem>> -> memref<128xf32, #tpu.memory_space<vmem>>
    %dma_wait3A_250 = arith.constant 384 : i32
    %dma_wait3A_251 = tpu.memref_slice %arg7[%dma_wait3A_250] : memref<4352xi32, #tpu.memory_space<vmem>> -> memref<128xi32, #tpu.memory_space<vmem>>
    %dma_wait3A_252 = arith.constant 0 : i32
    %dma_wait3A_253 = tpu.memref_slice %arg2[%dma_wait3A_252] : memref<67108864xf32, #tpu.memory_space<hbm>> -> memref<67108864xf32, #tpu.memory_space<hbm>>
    tpu.wait_indirect_dma semaphore(%arg10 : memref<!tpu.dma_semaphore, #tpu.memory_space<semaphore_mem>>) src(%dma_wait3A_253 : memref<67108864xf32, #tpu.memory_space<hbm>>) dst(%dma_wait3A_249 : memref<128xf32, #tpu.memory_space<vmem>>)
    %dma_wait3A_254 = arith.constant 512 : i32
    %dma_wait3A_255 = tpu.memref_slice %arg8[%dma_wait3A_254] : memref<4352xf32, #tpu.memory_space<vmem>> -> memref<128xf32, #tpu.memory_space<vmem>>
    %dma_wait3A_256 = arith.constant 512 : i32
    %dma_wait3A_257 = tpu.memref_slice %arg7[%dma_wait3A_256] : memref<4352xi32, #tpu.memory_space<vmem>> -> memref<128xi32, #tpu.memory_space<vmem>>
    %dma_wait3A_258 = arith.constant 0 : i32
    %dma_wait3A_259 = tpu.memref_slice %arg2[%dma_wait3A_258] : memref<67108864xf32, #tpu.memory_space<hbm>> -> memref<67108864xf32, #tpu.memory_space<hbm>>
    tpu.wait_indirect_dma semaphore(%arg10 : memref<!tpu.dma_semaphore, #tpu.memory_space<semaphore_mem>>) src(%dma_wait3A_259 : memref<67108864xf32, #tpu.memory_space<hbm>>) dst(%dma_wait3A_255 : memref<128xf32, #tpu.memory_space<vmem>>)
    %dma_wait3A_260 = arith.constant 640 : i32
    %dma_wait3A_261 = tpu.memref_slice %arg8[%dma_wait3A_260] : memref<4352xf32, #tpu.memory_space<vmem>> -> memref<128xf32, #tpu.memory_space<vmem>>
    %dma_wait3A_262 = arith.constant 640 : i32
    %dma_wait3A_263 = tpu.memref_slice %arg7[%dma_wait3A_262] : memref<4352xi32, #tpu.memory_space<vmem>> -> memref<128xi32, #tpu.memory_space<vmem>>
    %dma_wait3A_264 = arith.constant 0 : i32
    %dma_wait3A_265 = tpu.memref_slice %arg2[%dma_wait3A_264] : memref<67108864xf32, #tpu.memory_space<hbm>> -> memref<67108864xf32, #tpu.memory_space<hbm>>
    tpu.wait_indirect_dma semaphore(%arg10 : memref<!tpu.dma_semaphore, #tpu.memory_space<semaphore_mem>>) src(%dma_wait3A_265 : memref<67108864xf32, #tpu.memory_space<hbm>>) dst(%dma_wait3A_261 : memref<128xf32, #tpu.memory_space<vmem>>)
    %dma_wait3A_266 = arith.constant 768 : i32
    %dma_wait3A_267 = tpu.memref_slice %arg8[%dma_wait3A_266] : memref<4352xf32, #tpu.memory_space<vmem>> -> memref<128xf32, #tpu.memory_space<vmem>>
    %dma_wait3A_268 = arith.constant 768 : i32
    %dma_wait3A_269 = tpu.memref_slice %arg7[%dma_wait3A_268] : memref<4352xi32, #tpu.memory_space<vmem>> -> memref<128xi32, #tpu.memory_space<vmem>>
    %dma_wait3A_270 = arith.constant 0 : i32
    %dma_wait3A_271 = tpu.memref_slice %arg2[%dma_wait3A_270] : memref<67108864xf32, #tpu.memory_space<hbm>> -> memref<67108864xf32, #tpu.memory_space<hbm>>
    tpu.wait_indirect_dma semaphore(%arg10 : memref<!tpu.dma_semaphore, #tpu.memory_space<semaphore_mem>>) src(%dma_wait3A_271 : memref<67108864xf32, #tpu.memory_space<hbm>>) dst(%dma_wait3A_267 : memref<128xf32, #tpu.memory_space<vmem>>)
    %dma_wait3A_272 = arith.constant 896 : i32
    %dma_wait3A_273 = tpu.memref_slice %arg8[%dma_wait3A_272] : memref<4352xf32, #tpu.memory_space<vmem>> -> memref<128xf32, #tpu.memory_space<vmem>>
    %dma_wait3A_274 = arith.constant 896 : i32
    %dma_wait3A_275 = tpu.memref_slice %arg7[%dma_wait3A_274] : memref<4352xi32, #tpu.memory_space<vmem>> -> memref<128xi32, #tpu.memory_space<vmem>>
    %dma_wait3A_276 = arith.constant 0 : i32
    %dma_wait3A_277 = tpu.memref_slice %arg2[%dma_wait3A_276] : memref<67108864xf32, #tpu.memory_space<hbm>> -> memref<67108864xf32, #tpu.memory_space<hbm>>
    tpu.wait_indirect_dma semaphore(%arg10 : memref<!tpu.dma_semaphore, #tpu.memory_space<semaphore_mem>>) src(%dma_wait3A_277 : memref<67108864xf32, #tpu.memory_space<hbm>>) dst(%dma_wait3A_273 : memref<128xf32, #tpu.memory_space<vmem>>)
    %dma_wait3A_278 = arith.constant 1024 : i32
    %dma_wait3A_279 = tpu.memref_slice %arg8[%dma_wait3A_278] : memref<4352xf32, #tpu.memory_space<vmem>> -> memref<128xf32, #tpu.memory_space<vmem>>
    %dma_wait3A_280 = arith.constant 1024 : i32
    %dma_wait3A_281 = tpu.memref_slice %arg7[%dma_wait3A_280] : memref<4352xi32, #tpu.memory_space<vmem>> -> memref<128xi32, #tpu.memory_space<vmem>>
    %dma_wait3A_282 = arith.constant 0 : i32
    %dma_wait3A_283 = tpu.memref_slice %arg2[%dma_wait3A_282] : memref<67108864xf32, #tpu.memory_space<hbm>> -> memref<67108864xf32, #tpu.memory_space<hbm>>
    tpu.wait_indirect_dma semaphore(%arg10 : memref<!tpu.dma_semaphore, #tpu.memory_space<semaphore_mem>>) src(%dma_wait3A_283 : memref<67108864xf32, #tpu.memory_space<hbm>>) dst(%dma_wait3A_279 : memref<128xf32, #tpu.memory_space<vmem>>)
    %dma_wait3A_284 = arith.constant 1152 : i32
    %dma_wait3A_285 = tpu.memref_slice %arg8[%dma_wait3A_284] : memref<4352xf32, #tpu.memory_space<vmem>> -> memref<128xf32, #tpu.memory_space<vmem>>
    %dma_wait3A_286 = arith.constant 1152 : i32
    %dma_wait3A_287 = tpu.memref_slice %arg7[%dma_wait3A_286] : memref<4352xi32, #tpu.memory_space<vmem>> -> memref<128xi32, #tpu.memory_space<vmem>>
    %dma_wait3A_288 = arith.constant 0 : i32
    %dma_wait3A_289 = tpu.memref_slice %arg2[%dma_wait3A_288] : memref<67108864xf32, #tpu.memory_space<hbm>> -> memref<67108864xf32, #tpu.memory_space<hbm>>
    tpu.wait_indirect_dma semaphore(%arg10 : memref<!tpu.dma_semaphore, #tpu.memory_space<semaphore_mem>>) src(%dma_wait3A_289 : memref<67108864xf32, #tpu.memory_space<hbm>>) dst(%dma_wait3A_285 : memref<128xf32, #tpu.memory_space<vmem>>)
    %dma_wait3A_290 = arith.constant 1280 : i32
    %dma_wait3A_291 = tpu.memref_slice %arg8[%dma_wait3A_290] : memref<4352xf32, #tpu.memory_space<vmem>> -> memref<128xf32, #tpu.memory_space<vmem>>
    %dma_wait3A_292 = arith.constant 1280 : i32
    %dma_wait3A_293 = tpu.memref_slice %arg7[%dma_wait3A_292] : memref<4352xi32, #tpu.memory_space<vmem>> -> memref<128xi32, #tpu.memory_space<vmem>>
    %dma_wait3A_294 = arith.constant 0 : i32
    %dma_wait3A_295 = tpu.memref_slice %arg2[%dma_wait3A_294] : memref<67108864xf32, #tpu.memory_space<hbm>> -> memref<67108864xf32, #tpu.memory_space<hbm>>
    tpu.wait_indirect_dma semaphore(%arg10 : memref<!tpu.dma_semaphore, #tpu.memory_space<semaphore_mem>>) src(%dma_wait3A_295 : memref<67108864xf32, #tpu.memory_space<hbm>>) dst(%dma_wait3A_291 : memref<128xf32, #tpu.memory_space<vmem>>)
    %dma_wait3A_296 = arith.constant 1408 : i32
    %dma_wait3A_297 = tpu.memref_slice %arg8[%dma_wait3A_296] : memref<4352xf32, #tpu.memory_space<vmem>> -> memref<128xf32, #tpu.memory_space<vmem>>
    %dma_wait3A_298 = arith.constant 1408 : i32
    %dma_wait3A_299 = tpu.memref_slice %arg7[%dma_wait3A_298] : memref<4352xi32, #tpu.memory_space<vmem>> -> memref<128xi32, #tpu.memory_space<vmem>>
    %dma_wait3A_300 = arith.constant 0 : i32
    %dma_wait3A_301 = tpu.memref_slice %arg2[%dma_wait3A_300] : memref<67108864xf32, #tpu.memory_space<hbm>> -> memref<67108864xf32, #tpu.memory_space<hbm>>
    tpu.wait_indirect_dma semaphore(%arg10 : memref<!tpu.dma_semaphore, #tpu.memory_space<semaphore_mem>>) src(%dma_wait3A_301 : memref<67108864xf32, #tpu.memory_space<hbm>>) dst(%dma_wait3A_297 : memref<128xf32, #tpu.memory_space<vmem>>)
    %dma_wait3A_302 = arith.constant 1536 : i32
    %dma_wait3A_303 = tpu.memref_slice %arg8[%dma_wait3A_302] : memref<4352xf32, #tpu.memory_space<vmem>> -> memref<128xf32, #tpu.memory_space<vmem>>
    %dma_wait3A_304 = arith.constant 1536 : i32
    %dma_wait3A_305 = tpu.memref_slice %arg7[%dma_wait3A_304] : memref<4352xi32, #tpu.memory_space<vmem>> -> memref<128xi32, #tpu.memory_space<vmem>>
    %dma_wait3A_306 = arith.constant 0 : i32
    %dma_wait3A_307 = tpu.memref_slice %arg2[%dma_wait3A_306] : memref<67108864xf32, #tpu.memory_space<hbm>> -> memref<67108864xf32, #tpu.memory_space<hbm>>
    tpu.wait_indirect_dma semaphore(%arg10 : memref<!tpu.dma_semaphore, #tpu.memory_space<semaphore_mem>>) src(%dma_wait3A_307 : memref<67108864xf32, #tpu.memory_space<hbm>>) dst(%dma_wait3A_303 : memref<128xf32, #tpu.memory_space<vmem>>)
    %dma_wait3A_308 = arith.constant 1664 : i32
    %dma_wait3A_309 = tpu.memref_slice %arg8[%dma_wait3A_308] : memref<4352xf32, #tpu.memory_space<vmem>> -> memref<128xf32, #tpu.memory_space<vmem>>
    %dma_wait3A_310 = arith.constant 1664 : i32
    %dma_wait3A_311 = tpu.memref_slice %arg7[%dma_wait3A_310] : memref<4352xi32, #tpu.memory_space<vmem>> -> memref<128xi32, #tpu.memory_space<vmem>>
    %dma_wait3A_312 = arith.constant 0 : i32
    %dma_wait3A_313 = tpu.memref_slice %arg2[%dma_wait3A_312] : memref<67108864xf32, #tpu.memory_space<hbm>> -> memref<67108864xf32, #tpu.memory_space<hbm>>
    tpu.wait_indirect_dma semaphore(%arg10 : memref<!tpu.dma_semaphore, #tpu.memory_space<semaphore_mem>>) src(%dma_wait3A_313 : memref<67108864xf32, #tpu.memory_space<hbm>>) dst(%dma_wait3A_309 : memref<128xf32, #tpu.memory_space<vmem>>)
    %dma_wait3A_314 = arith.constant 1792 : i32
    %dma_wait3A_315 = tpu.memref_slice %arg8[%dma_wait3A_314] : memref<4352xf32, #tpu.memory_space<vmem>> -> memref<128xf32, #tpu.memory_space<vmem>>
    %dma_wait3A_316 = arith.constant 1792 : i32
    %dma_wait3A_317 = tpu.memref_slice %arg7[%dma_wait3A_316] : memref<4352xi32, #tpu.memory_space<vmem>> -> memref<128xi32, #tpu.memory_space<vmem>>
    %dma_wait3A_318 = arith.constant 0 : i32
    %dma_wait3A_319 = tpu.memref_slice %arg2[%dma_wait3A_318] : memref<67108864xf32, #tpu.memory_space<hbm>> -> memref<67108864xf32, #tpu.memory_space<hbm>>
    tpu.wait_indirect_dma semaphore(%arg10 : memref<!tpu.dma_semaphore, #tpu.memory_space<semaphore_mem>>) src(%dma_wait3A_319 : memref<67108864xf32, #tpu.memory_space<hbm>>) dst(%dma_wait3A_315 : memref<128xf32, #tpu.memory_space<vmem>>)
    %dma_wait3A_320 = arith.constant 1920 : i32
    %dma_wait3A_321 = tpu.memref_slice %arg8[%dma_wait3A_320] : memref<4352xf32, #tpu.memory_space<vmem>> -> memref<128xf32, #tpu.memory_space<vmem>>
    %dma_wait3A_322 = arith.constant 1920 : i32
    %dma_wait3A_323 = tpu.memref_slice %arg7[%dma_wait3A_322] : memref<4352xi32, #tpu.memory_space<vmem>> -> memref<128xi32, #tpu.memory_space<vmem>>
    %dma_wait3A_324 = arith.constant 0 : i32
    %dma_wait3A_325 = tpu.memref_slice %arg2[%dma_wait3A_324] : memref<67108864xf32, #tpu.memory_space<hbm>> -> memref<67108864xf32, #tpu.memory_space<hbm>>
    tpu.wait_indirect_dma semaphore(%arg10 : memref<!tpu.dma_semaphore, #tpu.memory_space<semaphore_mem>>) src(%dma_wait3A_325 : memref<67108864xf32, #tpu.memory_space<hbm>>) dst(%dma_wait3A_321 : memref<128xf32, #tpu.memory_space<vmem>>)
    %dma_wait3A_326 = arith.constant 2048 : i32
    %dma_wait3A_327 = tpu.memref_slice %arg8[%dma_wait3A_326] : memref<4352xf32, #tpu.memory_space<vmem>> -> memref<128xf32, #tpu.memory_space<vmem>>
    %dma_wait3A_328 = arith.constant 2048 : i32
    %dma_wait3A_329 = tpu.memref_slice %arg7[%dma_wait3A_328] : memref<4352xi32, #tpu.memory_space<vmem>> -> memref<128xi32, #tpu.memory_space<vmem>>
    %dma_wait3A_330 = arith.constant 0 : i32
    %dma_wait3A_331 = tpu.memref_slice %arg2[%dma_wait3A_330] : memref<67108864xf32, #tpu.memory_space<hbm>> -> memref<67108864xf32, #tpu.memory_space<hbm>>
    tpu.wait_indirect_dma semaphore(%arg10 : memref<!tpu.dma_semaphore, #tpu.memory_space<semaphore_mem>>) src(%dma_wait3A_331 : memref<67108864xf32, #tpu.memory_space<hbm>>) dst(%dma_wait3A_327 : memref<128xf32, #tpu.memory_space<vmem>>)
    %scan3A_332 = arith.constant 0 : i32
    %scan3A_333 = arith.constant 0 : i32
    %scan3A_334 = arith.constant 8 : i32
    %scan3A_335 = arith.addi %scan3A_333, %scan3A_334 : i32
    %scan3A_336 = arith.constant 1 : i32
    scf.for %scan3A_446 = %scan3A_333 to %scan3A_335 step %scan3A_336  : i32 {
      %mul3A_447 = arith.constant 16 : i32
      %mul3A_448 = arith.muli %scan3A_446, %mul3A_447 : i32
      %add3A_449 = arith.constant 0 : i32
      %add3A_450 = arith.addi %add3A_449, %mul3A_448 : i32
      %get3A = arith.index_cast %add3A_450 : i32 to index
      %get3A_451 = tpu.vector_load %arg8[%get3A] {strides = array<i32>} : memref<4352xf32, #tpu.memory_space<vmem>>, vector<16xf32>,
      %scan3A_452 = arith.constant 1 : i32
      %scan3A_453 = arith.constant 16 : i32
      %scan3A_454 = arith.addi %scan3A_452, %scan3A_453 : i32
      %scan3A_455 = arith.constant 1 : i32
      %scan3A_456 = scf.for %scan3A_463 = %scan3A_452 to %scan3A_454 step %scan3A_455 iter_args(%scan3A_464 = %get3A_451) -> (vector<16xf32>)  : i32 {
        %mul3A_465 = arith.constant 128 : i32
        %mul3A_466 = arith.muli %scan3A_463, %mul3A_465 : i32
        %add3A_467 = arith.constant 0 : i32
        %add3A_468 = arith.addi %add3A_467, %mul3A_466 : i32
        %mul3A_469 = arith.constant 16 : i32
        %mul3A_470 = arith.muli %scan3A_446, %mul3A_469 : i32
        %add3A_471 = arith.addi %add3A_468, %mul3A_470 : i32
        %get3A_472 = arith.index_cast %add3A_471 : i32 to index
        %get3A_473 = tpu.vector_load %arg8[%get3A_472] {strides = array<i32>} : memref<4352xf32, #tpu.memory_space<vmem>>, vector<16xf32>,
        %add3A_474 = arith.addf %scan3A_464, %get3A_473 : vector<16xf32>
        scf.yield %add3A_474 : vector<16xf32>
      }
      %scan3A_457 = arith.constant 16 : i32
      %mul3A_458 = arith.constant 16 : i32
      %mul3A_459 = arith.muli %scan3A_446, %mul3A_458 : i32
      %add3A_460 = arith.constant 0 : i32
      %add3A_461 = arith.addi %add3A_460, %mul3A_459 : i32
      %swap3A = arith.index_cast %add3A_461 : i32 to index
      %swap3A_462 = tpu.vector_load %arg9[%swap3A] {strides = array<i32>} : memref<256xf32, #tpu.memory_space<vmem>>, vector<16xf32>,
      tpu.vector_store %arg9[%swap3A], %scan3A_456 {strides = array<i32>} : memref<256xf32, #tpu.memory_space<vmem>>, vector<16xf32>,
    }
    %scan3A_337 = arith.constant 8 : i32
    %dma_wait3A_338 = arith.constant 2176 : i32
    %dma_wait3A_339 = tpu.memref_slice %arg8[%dma_wait3A_338] : memref<4352xf32, #tpu.memory_space<vmem>> -> memref<128xf32, #tpu.memory_space<vmem>>
    %dma_wait3A_340 = arith.constant 2176 : i32
    %dma_wait3A_341 = tpu.memref_slice %arg7[%dma_wait3A_340] : memref<4352xi32, #tpu.memory_space<vmem>> -> memref<128xi32, #tpu.memory_space<vmem>>
    %dma_wait3A_342 = arith.constant 0 : i32
    %dma_wait3A_343 = tpu.memref_slice %arg2[%dma_wait3A_342] : memref<67108864xf32, #tpu.memory_space<hbm>> -> memref<67108864xf32, #tpu.memory_space<hbm>>
    tpu.wait_indirect_dma semaphore(%arg10 : memref<!tpu.dma_semaphore, #tpu.memory_space<semaphore_mem>>) src(%dma_wait3A_343 : memref<67108864xf32, #tpu.memory_space<hbm>>) dst(%dma_wait3A_339 : memref<128xf32, #tpu.memory_space<vmem>>)
    %dma_wait3A_344 = arith.constant 2304 : i32
    %dma_wait3A_345 = tpu.memref_slice %arg8[%dma_wait3A_344] : memref<4352xf32, #tpu.memory_space<vmem>> -> memref<128xf32, #tpu.memory_space<vmem>>
    %dma_wait3A_346 = arith.constant 2304 : i32
    %dma_wait3A_347 = tpu.memref_slice %arg7[%dma_wait3A_346] : memref<4352xi32, #tpu.memory_space<vmem>> -> memref<128xi32, #tpu.memory_space<vmem>>
    %dma_wait3A_348 = arith.constant 0 : i32
    %dma_wait3A_349 = tpu.memref_slice %arg2[%dma_wait3A_348] : memref<67108864xf32, #tpu.memory_space<hbm>> -> memref<67108864xf32, #tpu.memory_space<hbm>>
    tpu.wait_indirect_dma semaphore(%arg10 : memref<!tpu.dma_semaphore, #tpu.memory_space<semaphore_mem>>) src(%dma_wait3A_349 : memref<67108864xf32, #tpu.memory_space<hbm>>) dst(%dma_wait3A_345 : memref<128xf32, #tpu.memory_space<vmem>>)
    %dma_wait3A_350 = arith.constant 2432 : i32
    %dma_wait3A_351 = tpu.memref_slice %arg8[%dma_wait3A_350] : memref<4352xf32, #tpu.memory_space<vmem>> -> memref<128xf32, #tpu.memory_space<vmem>>
    %dma_wait3A_352 = arith.constant 2432 : i32
    %dma_wait3A_353 = tpu.memref_slice %arg7[%dma_wait3A_352] : memref<4352xi32, #tpu.memory_space<vmem>> -> memref<128xi32, #tpu.memory_space<vmem>>
    %dma_wait3A_354 = arith.constant 0 : i32
    %dma_wait3A_355 = tpu.memref_slice %arg2[%dma_wait3A_354] : memref<67108864xf32, #tpu.memory_space<hbm>> -> memref<67108864xf32, #tpu.memory_space<hbm>>
    tpu.wait_indirect_dma semaphore(%arg10 : memref<!tpu.dma_semaphore, #tpu.memory_space<semaphore_mem>>) src(%dma_wait3A_355 : memref<67108864xf32, #tpu.memory_space<hbm>>) dst(%dma_wait3A_351 : memref<128xf32, #tpu.memory_space<vmem>>)
    %dma_wait3A_356 = arith.constant 2560 : i32
    %dma_wait3A_357 = tpu.memref_slice %arg8[%dma_wait3A_356] : memref<4352xf32, #tpu.memory_space<vmem>> -> memref<128xf32, #tpu.memory_space<vmem>>
    %dma_wait3A_358 = arith.constant 2560 : i32
    %dma_wait3A_359 = tpu.memref_slice %arg7[%dma_wait3A_358] : memref<4352xi32, #tpu.memory_space<vmem>> -> memref<128xi32, #tpu.memory_space<vmem>>
    %dma_wait3A_360 = arith.constant 0 : i32
    %dma_wait3A_361 = tpu.memref_slice %arg2[%dma_wait3A_360] : memref<67108864xf32, #tpu.memory_space<hbm>> -> memref<67108864xf32, #tpu.memory_space<hbm>>
    tpu.wait_indirect_dma semaphore(%arg10 : memref<!tpu.dma_semaphore, #tpu.memory_space<semaphore_mem>>) src(%dma_wait3A_361 : memref<67108864xf32, #tpu.memory_space<hbm>>) dst(%dma_wait3A_357 : memref<128xf32, #tpu.memory_space<vmem>>)
    %dma_wait3A_362 = arith.constant 2688 : i32
    %dma_wait3A_363 = tpu.memref_slice %arg8[%dma_wait3A_362] : memref<4352xf32, #tpu.memory_space<vmem>> -> memref<128xf32, #tpu.memory_space<vmem>>
    %dma_wait3A_364 = arith.constant 2688 : i32
    %dma_wait3A_365 = tpu.memref_slice %arg7[%dma_wait3A_364] : memref<4352xi32, #tpu.memory_space<vmem>> -> memref<128xi32, #tpu.memory_space<vmem>>
    %dma_wait3A_366 = arith.constant 0 : i32
    %dma_wait3A_367 = tpu.memref_slice %arg2[%dma_wait3A_366] : memref<67108864xf32, #tpu.memory_space<hbm>> -> memref<67108864xf32, #tpu.memory_space<hbm>>
    tpu.wait_indirect_dma semaphore(%arg10 : memref<!tpu.dma_semaphore, #tpu.memory_space<semaphore_mem>>) src(%dma_wait3A_367 : memref<67108864xf32, #tpu.memory_space<hbm>>) dst(%dma_wait3A_363 : memref<128xf32, #tpu.memory_space<vmem>>)
    %dma_wait3A_368 = arith.constant 2816 : i32
    %dma_wait3A_369 = tpu.memref_slice %arg8[%dma_wait3A_368] : memref<4352xf32, #tpu.memory_space<vmem>> -> memref<128xf32, #tpu.memory_space<vmem>>
    %dma_wait3A_370 = arith.constant 2816 : i32
    %dma_wait3A_371 = tpu.memref_slice %arg7[%dma_wait3A_370] : memref<4352xi32, #tpu.memory_space<vmem>> -> memref<128xi32, #tpu.memory_space<vmem>>
    %dma_wait3A_372 = arith.constant 0 : i32
    %dma_wait3A_373 = tpu.memref_slice %arg2[%dma_wait3A_372] : memref<67108864xf32, #tpu.memory_space<hbm>> -> memref<67108864xf32, #tpu.memory_space<hbm>>
    tpu.wait_indirect_dma semaphore(%arg10 : memref<!tpu.dma_semaphore, #tpu.memory_space<semaphore_mem>>) src(%dma_wait3A_373 : memref<67108864xf32, #tpu.memory_space<hbm>>) dst(%dma_wait3A_369 : memref<128xf32, #tpu.memory_space<vmem>>)
    %dma_wait3A_374 = arith.constant 2944 : i32
    %dma_wait3A_375 = tpu.memref_slice %arg8[%dma_wait3A_374] : memref<4352xf32, #tpu.memory_space<vmem>> -> memref<128xf32, #tpu.memory_space<vmem>>
    %dma_wait3A_376 = arith.constant 2944 : i32
    %dma_wait3A_377 = tpu.memref_slice %arg7[%dma_wait3A_376] : memref<4352xi32, #tpu.memory_space<vmem>> -> memref<128xi32, #tpu.memory_space<vmem>>
    %dma_wait3A_378 = arith.constant 0 : i32
    %dma_wait3A_379 = tpu.memref_slice %arg2[%dma_wait3A_378] : memref<67108864xf32, #tpu.memory_space<hbm>> -> memref<67108864xf32, #tpu.memory_space<hbm>>
    tpu.wait_indirect_dma semaphore(%arg10 : memref<!tpu.dma_semaphore, #tpu.memory_space<semaphore_mem>>) src(%dma_wait3A_379 : memref<67108864xf32, #tpu.memory_space<hbm>>) dst(%dma_wait3A_375 : memref<128xf32, #tpu.memory_space<vmem>>)
    %dma_wait3A_380 = arith.constant 3072 : i32
    %dma_wait3A_381 = tpu.memref_slice %arg8[%dma_wait3A_380] : memref<4352xf32, #tpu.memory_space<vmem>> -> memref<128xf32, #tpu.memory_space<vmem>>
    %dma_wait3A_382 = arith.constant 3072 : i32
    %dma_wait3A_383 = tpu.memref_slice %arg7[%dma_wait3A_382] : memref<4352xi32, #tpu.memory_space<vmem>> -> memref<128xi32, #tpu.memory_space<vmem>>
    %dma_wait3A_384 = arith.constant 0 : i32
    %dma_wait3A_385 = tpu.memref_slice %arg2[%dma_wait3A_384] : memref<67108864xf32, #tpu.memory_space<hbm>> -> memref<67108864xf32, #tpu.memory_space<hbm>>
    tpu.wait_indirect_dma semaphore(%arg10 : memref<!tpu.dma_semaphore, #tpu.memory_space<semaphore_mem>>) src(%dma_wait3A_385 : memref<67108864xf32, #tpu.memory_space<hbm>>) dst(%dma_wait3A_381 : memref<128xf32, #tpu.memory_space<vmem>>)
    %dma_wait3A_386 = arith.constant 3200 : i32
    %dma_wait3A_387 = tpu.memref_slice %arg8[%dma_wait3A_386] : memref<4352xf32, #tpu.memory_space<vmem>> -> memref<128xf32, #tpu.memory_space<vmem>>
    %dma_wait3A_388 = arith.constant 3200 : i32
    %dma_wait3A_389 = tpu.memref_slice %arg7[%dma_wait3A_388] : memref<4352xi32, #tpu.memory_space<vmem>> -> memref<128xi32, #tpu.memory_space<vmem>>
    %dma_wait3A_390 = arith.constant 0 : i32
    %dma_wait3A_391 = tpu.memref_slice %arg2[%dma_wait3A_390] : memref<67108864xf32, #tpu.memory_space<hbm>> -> memref<67108864xf32, #tpu.memory_space<hbm>>
    tpu.wait_indirect_dma semaphore(%arg10 : memref<!tpu.dma_semaphore, #tpu.memory_space<semaphore_mem>>) src(%dma_wait3A_391 : memref<67108864xf32, #tpu.memory_space<hbm>>) dst(%dma_wait3A_387 : memref<128xf32, #tpu.memory_space<vmem>>)
    %dma_wait3A_392 = arith.constant 3328 : i32
    %dma_wait3A_393 = tpu.memref_slice %arg8[%dma_wait3A_392] : memref<4352xf32, #tpu.memory_space<vmem>> -> memref<128xf32, #tpu.memory_space<vmem>>
    %dma_wait3A_394 = arith.constant 3328 : i32
    %dma_wait3A_395 = tpu.memref_slice %arg7[%dma_wait3A_394] : memref<4352xi32, #tpu.memory_space<vmem>> -> memref<128xi32, #tpu.memory_space<vmem>>
    %dma_wait3A_396 = arith.constant 0 : i32
    %dma_wait3A_397 = tpu.memref_slice %arg2[%dma_wait3A_396] : memref<67108864xf32, #tpu.memory_space<hbm>> -> memref<67108864xf32, #tpu.memory_space<hbm>>
    tpu.wait_indirect_dma semaphore(%arg10 : memref<!tpu.dma_semaphore, #tpu.memory_space<semaphore_mem>>) src(%dma_wait3A_397 : memref<67108864xf32, #tpu.memory_space<hbm>>) dst(%dma_wait3A_393 : memref<128xf32, #tpu.memory_space<vmem>>)
    %dma_wait3A_398 = arith.constant 3456 : i32
    %dma_wait3A_399 = tpu.memref_slice %arg8[%dma_wait3A_398] : memref<4352xf32, #tpu.memory_space<vmem>> -> memref<128xf32, #tpu.memory_space<vmem>>
    %dma_wait3A_400 = arith.constant 3456 : i32
    %dma_wait3A_401 = tpu.memref_slice %arg7[%dma_wait3A_400] : memref<4352xi32, #tpu.memory_space<vmem>> -> memref<128xi32, #tpu.memory_space<vmem>>
    %dma_wait3A_402 = arith.constant 0 : i32
    %dma_wait3A_403 = tpu.memref_slice %arg2[%dma_wait3A_402] : memref<67108864xf32, #tpu.memory_space<hbm>> -> memref<67108864xf32, #tpu.memory_space<hbm>>
    tpu.wait_indirect_dma semaphore(%arg10 : memref<!tpu.dma_semaphore, #tpu.memory_space<semaphore_mem>>) src(%dma_wait3A_403 : memref<67108864xf32, #tpu.memory_space<hbm>>) dst(%dma_wait3A_399 : memref<128xf32, #tpu.memory_space<vmem>>)
    %dma_wait3A_404 = arith.constant 3584 : i32
    %dma_wait3A_405 = tpu.memref_slice %arg8[%dma_wait3A_404] : memref<4352xf32, #tpu.memory_space<vmem>> -> memref<128xf32, #tpu.memory_space<vmem>>
    %dma_wait3A_406 = arith.constant 3584 : i32
    %dma_wait3A_407 = tpu.memref_slice %arg7[%dma_wait3A_406] : memref<4352xi32, #tpu.memory_space<vmem>> -> memref<128xi32, #tpu.memory_space<vmem>>
    %dma_wait3A_408 = arith.constant 0 : i32
    %dma_wait3A_409 = tpu.memref_slice %arg2[%dma_wait3A_408] : memref<67108864xf32, #tpu.memory_space<hbm>> -> memref<67108864xf32, #tpu.memory_space<hbm>>
    tpu.wait_indirect_dma semaphore(%arg10 : memref<!tpu.dma_semaphore, #tpu.memory_space<semaphore_mem>>) src(%dma_wait3A_409 : memref<67108864xf32, #tpu.memory_space<hbm>>) dst(%dma_wait3A_405 : memref<128xf32, #tpu.memory_space<vmem>>)
    %dma_wait3A_410 = arith.constant 3712 : i32
    %dma_wait3A_411 = tpu.memref_slice %arg8[%dma_wait3A_410] : memref<4352xf32, #tpu.memory_space<vmem>> -> memref<128xf32, #tpu.memory_space<vmem>>
    %dma_wait3A_412 = arith.constant 3712 : i32
    %dma_wait3A_413 = tpu.memref_slice %arg7[%dma_wait3A_412] : memref<4352xi32, #tpu.memory_space<vmem>> -> memref<128xi32, #tpu.memory_space<vmem>>
    %dma_wait3A_414 = arith.constant 0 : i32
    %dma_wait3A_415 = tpu.memref_slice %arg2[%dma_wait3A_414] : memref<67108864xf32, #tpu.memory_space<hbm>> -> memref<67108864xf32, #tpu.memory_space<hbm>>
    tpu.wait_indirect_dma semaphore(%arg10 : memref<!tpu.dma_semaphore, #tpu.memory_space<semaphore_mem>>) src(%dma_wait3A_415 : memref<67108864xf32, #tpu.memory_space<hbm>>) dst(%dma_wait3A_411 : memref<128xf32, #tpu.memory_space<vmem>>)
    %dma_wait3A_416 = arith.constant 3840 : i32
    %dma_wait3A_417 = tpu.memref_slice %arg8[%dma_wait3A_416] : memref<4352xf32, #tpu.memory_space<vmem>> -> memref<128xf32, #tpu.memory_space<vmem>>
    %dma_wait3A_418 = arith.constant 3840 : i32
    %dma_wait3A_419 = tpu.memref_slice %arg7[%dma_wait3A_418] : memref<4352xi32, #tpu.memory_space<vmem>> -> memref<128xi32, #tpu.memory_space<vmem>>
    %dma_wait3A_420 = arith.constant 0 : i32
    %dma_wait3A_421 = tpu.memref_slice %arg2[%dma_wait3A_420] : memref<67108864xf32, #tpu.memory_space<hbm>> -> memref<67108864xf32, #tpu.memory_space<hbm>>
    tpu.wait_indirect_dma semaphore(%arg10 : memref<!tpu.dma_semaphore, #tpu.memory_space<semaphore_mem>>) src(%dma_wait3A_421 : memref<67108864xf32, #tpu.memory_space<hbm>>) dst(%dma_wait3A_417 : memref<128xf32, #tpu.memory_space<vmem>>)
    %dma_wait3A_422 = arith.constant 3968 : i32
    %dma_wait3A_423 = tpu.memref_slice %arg8[%dma_wait3A_422] : memref<4352xf32, #tpu.memory_space<vmem>> -> memref<128xf32, #tpu.memory_space<vmem>>
    %dma_wait3A_424 = arith.constant 3968 : i32
    %dma_wait3A_425 = tpu.memref_slice %arg7[%dma_wait3A_424] : memref<4352xi32, #tpu.memory_space<vmem>> -> memref<128xi32, #tpu.memory_space<vmem>>
    %dma_wait3A_426 = arith.constant 0 : i32
    %dma_wait3A_427 = tpu.memref_slice %arg2[%dma_wait3A_426] : memref<67108864xf32, #tpu.memory_space<hbm>> -> memref<67108864xf32, #tpu.memory_space<hbm>>
    tpu.wait_indirect_dma semaphore(%arg10 : memref<!tpu.dma_semaphore, #tpu.memory_space<semaphore_mem>>) src(%dma_wait3A_427 : memref<67108864xf32, #tpu.memory_space<hbm>>) dst(%dma_wait3A_423 : memref<128xf32, #tpu.memory_space<vmem>>)
    %dma_wait3A_428 = arith.constant 4096 : i32
    %dma_wait3A_429 = tpu.memref_slice %arg8[%dma_wait3A_428] : memref<4352xf32, #tpu.memory_space<vmem>> -> memref<128xf32, #tpu.memory_space<vmem>>
    %dma_wait3A_430 = arith.constant 4096 : i32
    %dma_wait3A_431 = tpu.memref_slice %arg7[%dma_wait3A_430] : memref<4352xi32, #tpu.memory_space<vmem>> -> memref<128xi32, #tpu.memory_space<vmem>>
    %dma_wait3A_432 = arith.constant 0 : i32
    %dma_wait3A_433 = tpu.memref_slice %arg2[%dma_wait3A_432] : memref<67108864xf32, #tpu.memory_space<hbm>> -> memref<67108864xf32, #tpu.memory_space<hbm>>
    tpu.wait_indirect_dma semaphore(%arg10 : memref<!tpu.dma_semaphore, #tpu.memory_space<semaphore_mem>>) src(%dma_wait3A_433 : memref<67108864xf32, #tpu.memory_space<hbm>>) dst(%dma_wait3A_429 : memref<128xf32, #tpu.memory_space<vmem>>)
    %dma_wait3A_434 = arith.constant 4224 : i32
    %dma_wait3A_435 = tpu.memref_slice %arg8[%dma_wait3A_434] : memref<4352xf32, #tpu.memory_space<vmem>> -> memref<128xf32, #tpu.memory_space<vmem>>
    %dma_wait3A_436 = arith.constant 4224 : i32
    %dma_wait3A_437 = tpu.memref_slice %arg7[%dma_wait3A_436] : memref<4352xi32, #tpu.memory_space<vmem>> -> memref<128xi32, #tpu.memory_space<vmem>>
    %dma_wait3A_438 = arith.constant 0 : i32
    %dma_wait3A_439 = tpu.memref_slice %arg2[%dma_wait3A_438] : memref<67108864xf32, #tpu.memory_space<hbm>> -> memref<67108864xf32, #tpu.memory_space<hbm>>
    tpu.wait_indirect_dma semaphore(%arg10 : memref<!tpu.dma_semaphore, #tpu.memory_space<semaphore_mem>>) src(%dma_wait3A_439 : memref<67108864xf32, #tpu.memory_space<hbm>>) dst(%dma_wait3A_435 : memref<128xf32, #tpu.memory_space<vmem>>)
    %scan3A_440 = arith.constant 0 : i32
    %scan3A_441 = arith.constant 0 : i32
    %scan3A_442 = arith.constant 8 : i32
    %scan3A_443 = arith.addi %scan3A_441, %scan3A_442 : i32
    %scan3A_444 = arith.constant 1 : i32
    scf.for %scan3A_446 = %scan3A_441 to %scan3A_443 step %scan3A_444  : i32 {
      %mul3A_447 = arith.constant 16 : i32
      %mul3A_448 = arith.muli %scan3A_446, %mul3A_447 : i32
      %add3A_449 = arith.constant 2176 : i32
      %add3A_450 = arith.addi %add3A_449, %mul3A_448 : i32
      %get3A = arith.index_cast %add3A_450 : i32 to index
      %get3A_451 = tpu.vector_load %arg8[%get3A] {strides = array<i32>} : memref<4352xf32, #tpu.memory_space<vmem>>, vector<16xf32>,
      %scan3A_452 = arith.constant 1 : i32
      %scan3A_453 = arith.constant 16 : i32
      %scan3A_454 = arith.addi %scan3A_452, %scan3A_453 : i32
      %scan3A_455 = arith.constant 1 : i32
      %scan3A_456 = scf.for %scan3A_463 = %scan3A_452 to %scan3A_454 step %scan3A_455 iter_args(%scan3A_464 = %get3A_451) -> (vector<16xf32>)  : i32 {
        %mul3A_465 = arith.constant 128 : i32
        %mul3A_466 = arith.muli %scan3A_463, %mul3A_465 : i32
        %add3A_467 = arith.constant 2176 : i32
        %add3A_468 = arith.addi %add3A_467, %mul3A_466 : i32
        %mul3A_469 = arith.constant 16 : i32
        %mul3A_470 = arith.muli %scan3A_446, %mul3A_469 : i32
        %add3A_471 = arith.addi %add3A_468, %mul3A_470 : i32
        %get3A_472 = arith.index_cast %add3A_471 : i32 to index
        %get3A_473 = tpu.vector_load %arg8[%get3A_472] {strides = array<i32>} : memref<4352xf32, #tpu.memory_space<vmem>>, vector<16xf32>,
        %add3A_474 = arith.addf %scan3A_464, %get3A_473 : vector<16xf32>
        scf.yield %add3A_474 : vector<16xf32>
      }
      %scan3A_457 = arith.constant 16 : i32
      %mul3A_458 = arith.constant 16 : i32
      %mul3A_459 = arith.muli %scan3A_446, %mul3A_458 : i32
      %add3A_460 = arith.constant 128 : i32
      %add3A_461 = arith.addi %add3A_460, %mul3A_459 : i32
      %swap3A = arith.index_cast %add3A_461 : i32 to index
      %swap3A_462 = tpu.vector_load %arg9[%swap3A] {strides = array<i32>} : memref<256xf32, #tpu.memory_space<vmem>>, vector<16xf32>,
      tpu.vector_store %arg9[%swap3A], %scan3A_456 {strides = array<i32>} : memref<256xf32, #tpu.memory_space<vmem>>, vector<16xf32>,
    }
    %scan3A_445 = arith.constant 8 : i32
    "tpu.region"() ({
      %run_scoped3A = tpu.sem_alloc : memref<!tpu.dma_semaphore, #tpu.memory_space<semaphore_mem>>
      %dma_start3A_446 = tpu.memref_slice %arg4[%mul3A_2] : memref<8192xf32, #tpu.memory_space<hbm>> -> memref<256xf32, #tpu.memory_space<hbm>>
      %dma_start3A_447 = tpu.memref_slice %arg4[%mul3A_2] : memref<8192xf32, #tpu.memory_space<hbm>> -> memref<256xf32, #tpu.memory_space<hbm>>
      tpu.enqueue_dma source(%arg9 : memref<256xf32, #tpu.memory_space<vmem>>) target(%dma_start3A_447 : memref<256xf32, #tpu.memory_space<hbm>>) target_semaphore(%run_scoped3A : memref<!tpu.dma_semaphore, #tpu.memory_space<semaphore_mem>>)
      %dma_wait3A_448 = tpu.memref_slice %arg4[%mul3A_2] : memref<8192xf32, #tpu.memory_space<hbm>> -> memref<256xf32, #tpu.memory_space<hbm>>
      %dma_wait3A_449 = tpu.memref_slice %arg4[%mul3A_2] : memref<8192xf32, #tpu.memory_space<hbm>> -> memref<256xf32, #tpu.memory_space<hbm>>
      tpu.wait_dma2 semaphore(%run_scoped3A : memref<!tpu.dma_semaphore, #tpu.memory_space<semaphore_mem>>) src(%arg9 : memref<256xf32, #tpu.memory_space<vmem>>) dst(%dma_wait3A_449 : memref<256xf32, #tpu.memory_space<hbm>>)
      tpu.yield
    }) : () -> ()
    return
  }
}

module attributes {stable_mosaic.version = 14 : i64} {
  func.func @body(%arg0: memref<8192xf32, #tpu.memory_space<vmem>>, %arg1: memref<8192xf32, #tpu.memory_space<vmem>>) attributes {dimension_semantics = [], scalar_prefetch = 0 : i64, scratch_operands = 0 : i64, tpu.core_type = #tpu.core_type<tc>} {
    %get3A = arith.constant 0 : index
    %get3A_0 = vector.load %arg0[%get3A] : memref<8192xf32, #tpu.memory_space<vmem>>, vector<8192xf32>
    %reduce_max3A = vector.shape_cast %get3A_0 : vector<8192xf32> to vector<1x8192xf32>
    %reduce_max3A_1 = arith.constant dense<0xFF800000> : vector<1xf32>
    %reduce_max3A_2 = vector.multi_reduction <maximumf>, %reduce_max3A, %reduce_max3A_1 [1] : vector<1x8192xf32> to vector<1xf32>
    %reduce_max3A_3 = vector.shape_cast %reduce_max3A_2 : vector<1xf32> to vector<1x1xf32>
    %reduce_max3A_4 = vector.extract %reduce_max3A_3[0, 0] : f32 from vector<1x1xf32>
    %sub3A = vector.broadcast %reduce_max3A_4 : f32 to vector<8192xf32>
    %sub3A_5 = arith.subf %get3A_0, %sub3A : vector<8192xf32>
    %exp3A = math.exp %sub3A_5 : vector<8192xf32>
    %reduce_sum3A = vector.shape_cast %exp3A : vector<8192xf32> to vector<1x8192xf32>
    %reduce_sum3A_6 = arith.constant dense<0.000000e+00> : vector<1xf32>
    %reduce_sum3A_7 = vector.multi_reduction <add>, %reduce_sum3A, %reduce_sum3A_6 [1] : vector<1x8192xf32> to vector<1xf32>
    %reduce_sum3A_8 = vector.shape_cast %reduce_sum3A_7 : vector<1xf32> to vector<1x1xf32>
    %reduce_sum3A_9 = vector.extract %reduce_sum3A_8[0, 0] : f32 from vector<1x1xf32>
    %div3A = vector.broadcast %reduce_sum3A_9 : f32 to vector<8192xf32>
    %div3A_10 = arith.divf %exp3A, %div3A : vector<8192xf32>
    %swap3A = arith.constant 0 : index
    %swap3A_11 = vector.load %arg1[%swap3A] : memref<8192xf32, #tpu.memory_space<vmem>>, vector<8192xf32>
    tpu.vector_store %arg1[%swap3A], %div3A_10 {strides = array<i32>} : memref<8192xf32, #tpu.memory_space<vmem>>, vector<8192xf32>,
    return
  }
}

</mosaic_0001>

<sc_bundles>
// kernel: kernel.4.cloned.1.call-start
scs
__scs_entry_jumppad:
0x0: {  	(pc) =	sbr.rel $0x88, $3  }
0x1: {  	(tag) =	ssettag $0x0;
	lr =	simm.s32 $0x1  }
0x2: {  	[smem:$0x3F9F] =	sst lr;
	_ =	strace $0xD0000000  }
0x3: {  	_ = 	snop  }
0x4: {  	_ = 	snop  }
0x5: {  	_ = 	snop  }
0x6: {  	_ = 	snop  }
0x7: {  	_ = 	snop  }
__scs_overlays_trampoline_lowered:
0x8: {  	[smem:$0x3FAE] =	sst s0  }
0x9: {  	[smem:$0x3FAF] =	sst s1  }
0xa: {  	[smem:$0x3FB0] =	sst s2  }
0xb: {  	[smem:$0x3FB1] =	sst s3  }
0xc: {  	[smem:$0x3FB2] =	sst s4  }
0xd: {  	[smem:$0x3FB3] =	sst s5  }
0xe: {  	[smem:$0x3FB4] =	sst s6  }
0xf: {  	[smem:$0x3FB5] =	sst s7  }
0x10: {  	[smem:$0x3FB6] =	sst s8  }
0x11: {  	[smem:$0x3FB7] =	sst s9;
	s0 =	simm.s32 @!p0 $0x0  }
0x12: {  	s1 =	sld [smem:$0x3F9D];
	s0 =	simm.s32 @p0 $0x1  }
0x13: {  	[smem:$0x3FB8] =	sst s0;
	s0 =	simm.s32 @!p1 $0x0  }
0x14: {  	s2 =	sld [smem:$0x3F9C];
	s0 =	simm.s32 @p1 $0x1  }
0x15: {  	[smem:$0x3FB9] =	sst s0;
	s0 =	simm.s32 @!p2 $0x0  }
0x16: {  	s3 =	sld [smem:$0x3FDB];
	s0 =	simm.s32 @p2 $0x1  }
0x17: {  	s4 =	simm.s32 $0x1BF5;
	[smem:$0x3FBB] =	sst s0  }
0x18: {  	s0 =	sld [smem:$0x3F9E];
	_ =	swait.ge [sflag:s4], $0x0  }
0x19: {  	s7 =	sld [smem:$0x3F9F]  }
0x1a: {  	s8 =	sadd.s32 $0xFFFFE003, lr  }
0x1b: {  	s9 =	sadd.s32 $0xFFFFFEF7, lr;
	s5 =	simm.s32 $0xFFFFFFFF;
	p2 =	slt.u32 s8, $0xFFFFF086  }
0x1c: {  	p1 =	slt.u32 s9, $0xF7A;
	s5 =	simm.s32 @!p2 $0x0  }
0x1d: {  	s5 =	simm.s32 @p1 $0x1;
	p0 =	seq.s32 s7, s2  }
0x1e: {  	s7 =	smul.u32 @!p0 $0xF7A, s2;
	p2 =	seq.s32 @!p0 s5, $0x0  }
0x1f: {  	s9 =	smul.u32 $0xF7A, s1;
	s8 =	simm.s32 @!p0 $0x1BF5;
	p2 =	por !p2, p0  }
0x20: {  	[sflag:s8] =	ssyncset.s32 @!p0 $0xFFFFF086;
	s6 =	sadd.s32 @!p0 s3, s7;
	s7 =	simm.s32 @!p0 $0x108  }
0x21: {  	s3 =	sadd.s32 s3, s9;
	s6 =	sadd.s32 @!p0 $0x88, s6;
	s7 =	simm.s32 @p2 $0x1082  }
0x22: {  	[simem:s7], [sflag:s8] =	dma.local @!p0 [hbm:s6], $0xF7A  }
0x23: {  	s9 =	sor.u32 $0xD0000000, s2;
	s6 =	simm.s32 $0x108;
	_ =	swait.ge @!p0 [sflag:s8], $0x0  }
0x24: {  	s3 =	sadd.s32 $0x88, s3;
	s6 =	simm.s32 @!p1 $0x1082;
	[sflag:s4] =	ssyncset.s32 $0xFFFFF086  }
0x25: {  	[simem:s6], [sflag:s4] =	dma.local [hbm:s3], $0xF7A  }
0x26: {  	[smem:$0x3F9F] =	sst s1;
	(tag) =	ssettag s2;
	_ =	strace s9  }
0x27: {  	s1 =	sld [smem:$0x3FAF]  }
0x28: {  	s2 =	sld [smem:$0x3FB0]  }
0x29: {  	s4 =	sld [smem:$0x3FB2]  }
0x2a: {  	p0 =	seq.s32 s5, $0x0;
	s5 =	sld [smem:$0x3FB3]  }
0x2b: {  	s6 =	sld [smem:$0x3FB4]  }
0x2c: {  	s7 =	sld [smem:$0x3FB5]  }
0x2d: {  	s3 =	simm.s32 $0x108;
	s8 =	sld [smem:$0x3FB6]  }
0x2e: {  	s3 =	simm.s32 @!p0 $0x1082;
	s9 =	sld [smem:$0x3FB7]  }
0x2f: {  	lr =	sadd.s32 s0, s3;
	s0 =	sld [smem:$0x3FAE]  }
0x30: {  	s3 =	sld [smem:$0x3FB1]  }
0x31: {  	[smem:$0x3FBA] =	sst s10  }
0x32: {  	s10 =	sld [smem:$0x3FB8];
	_ =	sdelay $0x3  }
0x33: {  	p0 =	seq.s32 s10, $0x1;
	s10 =	sld [smem:$0x3FBA];
	_ =	sdelay $0x3  }
0x34: {  	[smem:$0x3FBA] =	sst s10  }
0x35: {  	s10 =	sld [smem:$0x3FB9];
	_ =	sdelay $0x3  }
0x36: {  	p1 =	seq.s32 s10, $0x1;
	s10 =	sld [smem:$0x3FBA];
	_ =	sdelay $0x3  }
0x37: {  	[smem:$0x3FBA] =	sst s10  }
0x38: {  	s10 =	sld [smem:$0x3FBB]  }
0x39: {  	_ = 	snop;
	(pc) =	sbr.ind lr, $3  }
0x3a: {  	_ = 	snop  }
0x3b: {  	_ = 	snop  }
0x3c: {  	p2 =	seq.s32 s10, $0x1;
	s10 =	sld [smem:$0x3FBA]  }
0x3d: {  	_ =	shalt  }
0x3e: {  	_ =	shalt  }
0x3f: {  	_ =	shalt  }
0x40: {  	_ =	shalt  }
0x41: {  	_ =	shalt  }
0x42: {  	_ =	shalt  }
0x43: {  	_ =	shalt  }
0x44: {  	_ =	shalt  }
0x45: {  	_ =	shalt  }
0x46: {  	_ =	shalt  }
0x47: {  	_ =	shalt  }
0x48: {  	_ =	shalt  }
0x49: {  	_ =	shalt  }
0x4a: {  	_ =	shalt  }
0x4b: {  	_ =	shalt  }
0x4c: {  	_ =	shalt  }
0x4d: {  	_ =	shalt  }
0x4e: {  	_ =	shalt  }
0x4f: {  	_ =	shalt  }
0x50: {  	_ =	shalt  }
0x51: {  	_ =	shalt  }
0x52: {  	_ =	shalt  }
0x53: {  	_ =	shalt  }
0x54: {  	_ =	shalt  }
0x55: {  	_ =	shalt  }
0x56: {  	_ =	shalt  }
0x57: {  	_ =	shalt  }
0x58: {  	_ =	shalt  }
0x59: {  	_ =	shalt  }
0x5a: {  	_ =	shalt  }
0x5b: {  	_ =	shalt  }
0x5c: {  	_ =	shalt  }
0x5d: {  	_ =	shalt  }
0x5e: {  	_ =	shalt  }
0x5f: {  	_ =	shalt  }
0x60: {  	_ =	shalt  }
0x61: {  	_ =	shalt  }
0x62: {  	_ =	shalt  }
0x63: {  	_ =	shalt  }
0x64: {  	_ =	shalt  }
0x65: {  	_ =	shalt  }
0x66: {  	_ =	shalt  }
0x67: {  	_ =	shalt  }
0x68: {  	_ =	shalt  }
0x69: {  	_ =	shalt  }
0x6a: {  	_ =	shalt  }
0x6b: {  	_ =	shalt  }
0x6c: {  	_ =	shalt  }
0x6d: {  	_ =	shalt  }
0x6e: {  	_ =	shalt  }
0x6f: {  	_ =	shalt  }
0x70: {  	_ =	shalt  }
0x71: {  	_ =	shalt  }
0x72: {  	_ =	shalt  }
0x73: {  	_ =	shalt  }
0x74: {  	_ =	shalt  }
0x75: {  	_ =	shalt  }
0x76: {  	_ =	shalt  }
0x77: {  	_ =	shalt  }
0x78: {  	_ =	shalt  }
0x79: {  	_ =	shalt  }
0x7a: {  	_ =	shalt  }
0x7b: {  	_ =	shalt  }
0x7c: {  	_ =	shalt  }
0x7d: {  	_ =	shalt  }
0x7e: {  	_ =	shalt  }
0x7f: {  	_ =	shalt  }
0x80: {  	_ =	shalt  }
0x81: {  	_ =	shalt  }
0x82: {  	_ =	shalt  }
0x83: {  	_ =	shalt  }
0x84: {  	_ =	shalt  }
0x85: {  	_ =	shalt  }
0x86: {  	_ =	shalt  }
0x87: {  	_ =	shalt  }
.Lfunc_end0:
.L_simem_size_0:
called_computation_lowered:
.L_overlay_start_0:
0x88: {  	s2 =	sld [smem:$0x3FD9]  }
0x89: {  	s3 =	sld [smem:$0x3FFE];
	_ =	sdelay $0x1  }
0x8a: {  	s1 =	srdreg.scid  }
0x8b: {  	s0 =	sand.u32 $0x1, s1  }
0x8c: {  	s15 =	sshll.u32 s0, $0xA;
	s2 =	sadd.s32 s3, s2  }
0x8d: {  	s2 =	sadd.s32 s2, s15  }
0x8e: {  	[smem:$0x3FC6] =	sst s2  }
0x8f: {  	_ = 	snop  }
0x90: {  	s2 =	sld [smem:$0x3FD0];
	_ =	sdelay $0x1  }
0x91: {  	s16 =	sld [smem:$0x3FC9]  }
0x92: {  	s5 =	simm.s32 $0xA;
	s6 =	simm.s32 $0x10;
	s4 =	sld [smem:$0x3FC8]  }
0x93: {  	[smem:s6], [sflag:s5] =	dma.local [hbm:s2], $0x1  }
0x94: {  	_ =	swait.eq [sflag:s5], $0x1  }
0x95: {  	[sflag:s5] =	ssyncset.done $0x0  }
0x96: {  	[sflag:s5] =	ssyncadd.s32 $0xFFFFFFFF  }
0x97: {  	s17 =	sld [smem:$0x11];
	(tm) =	ssettm $0x1  }
0x98: {  	s18 =	sld [smem:$0x3FFB];
	_ =	sdelay $0x3  }
0x99: {  	_ =	strace s18  }
0x9a: {  	s5 =	sld [smem:$0x3FFC];
	_ =	sdelay $0x3  }
0x9b: {  	_ =	strace s5  }
0x9c: {  	s5 =	sld [smem:$0x3FFD];
	_ =	sdelay $0x3  }
0x9d: {  	_ =	strace s5  }
0x9e: {  	_ =	strace $0x8FFFFFFF  }
0x9f: {  	s19 =	sld [smem:$0x3FDB];
	_ =	sdelay $0x1  }
0xa0: {  	s20 =	simm.s32 $_scs_section_size  }
0xa1: {  	s7 =	simm.s32 $_size__tile_overlayer_lowered;
	s8 =	simm.s32 $_tile_overlayer_lowered  }
0xa2: {  	s23 =	simm.s32 $0x1BFF;
	s22 =	sshll.u32 s8, $0x1;
	s5 =	sadd.s32 s20, s19  }
0xa3: {  	s9 =	simm.s32 $0x0;
	s21 =	sshll.u32 s7, $0x1;
	s7 =	sadd.s32 s22, s5  }
0xa4: {  	[timem:s9], [sflag:s23] =	dma.local [hbm:s7], s21  }
0xa5: {  	_ =	swait.ge [sflag:s23], s21  }
0xa6: {  	s6 =	ssub.s32 $0x0, s21;
	[sflag:s23] =	ssyncset.done $0x0  }
0xa7: {  	[sflag:s23] =	ssyncadd.s32 s6;
	_ =	sdelay $0x1  }
0xa8: {  	s24 =	simm.s32 $0x1B8B  }
0xa9: {  	_ =	swait.ge [sflag:s24], $0x1  }
0xaa: {  	[sflag:s24] =	ssyncset.done $0x0  }
0xab: {  	s25 =	simm.s32 $0x1B8E;
	[sflag:s24] =	ssyncadd.s32 $0xFFFFFFFF  }
0xac: {  	s26 =	simm.s32 $execute0_lowered;
	[smem:$0x3FD2] =	sst s25  }
0xad: {  	s6 =	sshll.u32 s26, $0x1;
	_ =	strace $0x80000046;
	[dreg:$0x1] =	wrdreg $0xFFFFFFFF  }
0xae: {  	s28 =	simm.s32 $_size_execute0_lowered;
	s5 =	sadd.s32 s5, s6;
	[dreg:$0x0] =	wrdreg $0x0  }
0xaf: {  	s6 =	sshll.u32 s28, $0x1;
	[dreg:$0x2] =	wrdreg s5  }
0xb0: {  	[dreg:$0x3] =	wrdreg s6  }
0xb1: {  	[dreg:$0x4] =	wrdreg $0xC0  }
0xb2: {  	_ =	task [dreg:s9], $0x5FFFF  }
0xb3: {  	[dreg:$0x1] =	wrdreg $0xFFFFFFFF  }
0xb4: {  	[dreg:$0x0] =	wrdreg $0x60  }
0xb5: {  	[dreg:$0x2] =	wrdreg s16  }
0xb6: {  	[dreg:$0x3] =	wrdreg s4  }
0xb7: {  	[dreg:$0x4] =	wrdreg s17  }
0xb8: {  	[dreg:$0x5] =	wrdreg $0x9  }
0xb9: {  	_ =	task.clear_ibuf [dreg:s9], $0x6FFFF;
	_ =	strace $0x90000046  }
0xba: {  	s29 =	simm.s32 $0x9;
	_ =	strace $0x80000048  }
0xbb: {  	_ =	swait.ge [sflag:s29], $0x1  }
0xbc: {  	[sflag:s29] =	ssyncadd.s32 $0xFFFFFFFF  }
0xbd: {  	_ =	strace $0x90000048  }
0xbe: {  	_ =	sfence  }
0xbf: {  	s30 =	sld [smem:$0x0];
	_ =	sdelay $0x2  }
0xc0: {  	s31 =	sshll.u32 s1, $0xD;
	s1 =	sshrl.u32 s1, $0x2  }
0xc1: {  	s3 =	sand.u32 $0x4000, s31;
	s1 =	sadd.s32 s1, s30  }
0xc2: {  	s0 =	sor.u32 s3, s0;
	s1 =	sshll.u32 s1, $0x11  }
0xc3: {  	s0 =	sor.u32 s1, s0  }
0xc4: {  	s0 =	sadd.s32 $0x8F2B, s0  }
0xc5: {  	[sflag:s0] =	ssyncadd.remote.s32 $0x1  }
0xc6: {  	_ =	sfence.sel $0xFFFF  }
0xc7: {  	[dreg:$0x0] =	wrdreg $0xFFFFFFFF;
	(pc) =	sbr.abs _section_cstart, $3  }
0xc8: {  	[dreg:$0x1] =	wrdreg $0xFFFFFFFF  }
0xc9: {  	_ =	task.clear_ibuf [dreg:s9], $0x2FFFF;
	_ =	strace $0x9FFFFFFF  }
0xca: {  	(tm) =	ssettm $0x7FFFFFFF  }
0xcb: {  	_ =	shalt  }
tec
execute0_lowered:
.L_overlay_start_1:
0x0: {  	(tag) =	ssettag $0x1  }
0x1: {  	s1 =	rddreg [dreg:$0x0]  }
0x2: {  	s0 =	rddreg [dreg:$0x1]  }
0x3: {  	s2 =	rddreg [dreg:$0x2]  }
0x4: {  	s3 =	simm.s32 $0x0;
	s4 =	srdreg.scid;
	s6 =	stileid.u32  }
0x5: {  	s10 =	simm.s32 $0x2;
	s11 =	simm.s32 $0x80;
	s23 =	simm.s32 $0x3800  }
0x6: {  	s24 =	simm.s32 $0x2780;
	s25 =	simm.s32 $0x3880;
	s28 =	simm.s32 $0x3900  }
0x7: {  	s29 =	simm.s32 $0x2880;
	s30 =	simm.s32 $0x3980;
	s31 =	simm.s32 $0x2900  }
0x8: {  	s8 =	simm.s32 $0x3A80;
	s9 =	simm.s32 $0x1;
	s12 =	simm.s32 $0x3B00  }
0x9: {  	s13 =	simm.s32 $0x3;
	s14 =	simm.s32 $0x0;
	s4 =	sand.u32 $0x1, s4  }
0xa: {  	s6 =	sshll.u32 s6, $0x9;
	s5 =	ssub.s32 $0x2, s4;
	s4 =	sshll.u32 s4, $0x8  }
0xb: {  	[smem:$0x7FF] =	sst s3;
	s7 =	sshrl.u32 s5, $0x1;
	s4 =	sor.u32 s4, s6  }
0xc: {  	v0 =	vlaneseq.u32;
	_ =	strace $0x80000047;
	s7 =	ssub.s32 s5, s7;
	s26 =	sshrl.u32 s4, $0x3  }
0xd: {  	v1 =	vand.u32 $0x7, v0;
	s5 =	sadd.s32 s0, s4;
	s0 =	simm.s32 $0x3A00;
	s6 =	sadd.s32 s2, s26  }
0xe: {  	v0 =	vmul.u32 $0x2000, v0;
	v1 =	vmul.u32 $0x80, v1;
	s7 =	smax.u32 s7, $0x1;
	s26 =	simm.s32 $0x2800;
	s2 =	simm.s32 $0x2980  }
.LBB2_1:
0xf: {  	v2 =	vmov s4  }
0x10: {  	v2 =	vshll.u32 v2, $0xD  }
0x11: {  	s15 =	simm.s32 $0x800;
	s16 =	simm.s32 $0x10000;
	v2 =	vor.u32 v0, v2  }
0x12: {  	[tilespmem:s3], [sflag:$0x2] =	stream.strided.gather [hbm4b:s5+s15], $0x1800, s16, s15, $0x38;
	v2 =	vand.u32 $0x7FFF0000, v2;
	[tilespmem:$0x3C00] =	vst v63  }
0x13: {  	s17 =	simm.s32 $0x0;
	s15 =	simm.s32 $0x40;
	s16 =	smov.u32 s4;
	v2 =	vor.u32 v1, v2  }
.LBB2_2:
0x14: {  	p0 =	sne.s32 s15, $0x3C0  }
0x15: {  	[tilespmem:s17+$0x1800] =	vst v2;
	s16 =	sadd.s32 $0x10, s16;
	s17 =	smov.u32 s15;
	s15 =	sadd.s32 $0x40, s15  }
.Ltmp0:
0x16: {  	v2 =	vmov s16;
	(pc) =	sbr.rel @p0 .LBB2_2-.Ltmp0, $4  }
0x17: {  	v2 =	vshll.u32 v2, $0xD  }
0x18: {  	v2 =	vor.u32 v0, v2  }
0x19: {  	v2 =	vand.u32 $0x7FFF0000, v2  }
0x1a: {  	s17 =	sshra.s32 s17, $0x2;
	v2 =	vor.u32 v1, v2  }
0x1b: {  	[tilespmem:s17+$0x1800] =	vst v2  }
0x1c: {  	_ =	swait.ge [sflag:s10], $0x1800  }
0x1d: {  	s15 =	simm.s32 $0x0;
	[sflag:s10] =	ssyncset.done $0x0  }
0x1e: {  	s16 =	simm.s32 $0x1900;
	s17 =	simm.s32 $0x0;
	[sflag:s10] =	ssyncadd.s32 $0xFFFFE800  }
.LBB2_4:
0x1f: {  	s18 =	sshll.u32 s17, $0x4  }
0x20: {  	v2 =	vmov s18;
	_ =	sdelay $0x2  }
0x21: {  	s19 =	sand.u32 $0x1800, s15;
	s20 =	sand.u32 $0x380, s15  }
0x22: {  	s19 =	sor.u32 s20, s19  }
0x23: {  	v4 =	vld.idx.msk [tilespmem:v2+s19+$0x0 ss:$0x1], $0xffff  }
0x24: {  	v3 =	vld [tilespmem:s18+$0x1800];
	_ =	sdelay $0x3  }
0x25: {  	s22 =	simm.s32 $0x100;
	v5 =	vshll.u32 v4, $0x3;
	v4 =	vand.u32 $0x7F, v4  }
0x26: {  	s21 =	sand.u32 $0x1800, s22;
	s19 =	simm.s32 $0x80;
	v5 =	vand.u32 $0xFFFFFC00, v5;
	v4 =	vadd.s32 v3, v4  }
0x27: {  	s20 =	simm.s32 $0x200;
	s18 =	smov.u32 s16;
	s22 =	sand.u32 $0x380, s19;
	v4 =	vadd.s32 v5, v4  }
.LBB2_5:
0x28: {  	p0 =	sne.s32 s20, $0x1000;
	s21 =	sor.u32 s22, s21;
	[tilespmem:s18+$0x0] =	vst v4  }
0x29: {  	v4 =	vld.idx.msk [tilespmem:v2+s21+$0x0 ss:$0x1], $0xffff;
	_ =	sdelay $0x3  }
.Ltmp1:
0x2a: {  	(pc) =	sbr.rel @p0 .LBB2_5-.Ltmp1, $4  }
0x2b: {  	_ = 	snop  }
0x2c: {  	v5 =	vshll.u32 v4, $0x3;
	v4 =	vand.u32 $0x7F, v4  }
0x2d: {  	s19 =	sadd.s32 $0x80, s19;
	s18 =	sadd.s32 $0x80, s18;
	v5 =	vand.u32 $0xFFFFFC00, v5;
	v4 =	vadd.s32 v3, v4  }
0x2e: {  	s21 =	sand.u32 $0x1800, s20;
	s22 =	sand.u32 $0x380, s19;
	s20 =	sadd.s32 $0x100, s20;
	v4 =	vadd.s32 v5, v4  }
0x2f: {  	_ =	sdelay $0x2  }
0x30: {  	s19 =	sor.u32 s22, s21;
	[tilespmem:s18+$0x0] =	vst v4  }
0x31: {  	v2 =	vld.idx.msk [tilespmem:v2+s19+$0x0 ss:$0x1], $0xffff;
	_ =	sdelay $0x1  }
0x32: {  	s17 =	sadd.s32 $0x1, s17  }
0x33: {  	p0 =	sne.s32 s17, $0x8  }
.Ltmp2:
0x34: {  	_ = 	snop;
	(pc) =	sbr.rel @p0 .LBB2_4-.Ltmp2, $4  }
0x35: {  	v63 =	vshll.u32 v2, $0x3;
	v2 =	vand.u32 $0x7F, v2  }
0x36: {  	v4 =	vand.u32 $0xFFFFFC00, v63;
	v2 =	vadd.s32 v3, v2  }
0x37: {  	s22 =	sadd.s32 $0x80, s18;
	v2 =	vadd.s32 v4, v2  }
0x38: {  	s16 =	sadd.s32 $0x10, s16;
	[tilespmem:s22+$0x0] =	vst v2  }
0x39: {  	s15 =	simm.s32 $0x1900;
	s16 =	simm.s32 $0x2A00  }
0x3a: {  	[tilespmem:s16], [sflag:$0x1] =	stream.indirect.gather [hbm4b:s1+s11], $0x1, s15, s11, $0xb8;
	[tilespmem:$0x3C00] =	vst v63  }
0x3b: {  	s21 =	simm.s32 $0x1980;
	s22 =	simm.s32 $0x2A80  }
0x3c: {  	[tilespmem:s22], [sflag:$0x1] =	stream.indirect.gather [hbm4b:s1+s11], $0x1, s21, s11, $0xb8;
	[tilespmem:$0x3C00] =	vst v63  }
0x3d: {  	s17 =	simm.s32 $0x1A00;
	s18 =	simm.s32 $0x2B00  }
0x3e: {  	[tilespmem:s18], [sflag:$0x1] =	stream.indirect.gather [hbm4b:s1+s11], $0x1, s17, s11, $0xb8;
	[tilespmem:$0x3C00] =	vst v63  }
0x3f: {  	s19 =	simm.s32 $0x1A80;
	s20 =	simm.s32 $0x2B80  }
0x40: {  	[tilespmem:s20], [sflag:$0x1] =	stream.indirect.gather [hbm4b:s1+s11], $0x1, s19, s11, $0xb8;
	[tilespmem:$0x3C00] =	vst v63  }
0x41: {  	s21 =	simm.s32 $0x1B00;
	s22 =	simm.s32 $0x2C00  }
0x42: {  	[tilespmem:s22], [sflag:$0x1] =	stream.indirect.gather [hbm4b:s1+s11], $0x1, s21, s11, $0xb8;
	[tilespmem:$0x3C00] =	vst v63  }
0x43: {  	s17 =	simm.s32 $0x1B80;
	s18 =	simm.s32 $0x2C80  }
0x44: {  	[tilespmem:s18], [sflag:$0x1] =	stream.indirect.gather [hbm4b:s1+s11], $0x1, s17, s11, $0xb8;
	[tilespmem:$0x3C00] =	vst v63  }
0x45: {  	s19 =	simm.s32 $0x1C00;
	s20 =	simm.s32 $0x2D00  }
0x46: {  	[tilespmem:s20], [sflag:$0x1] =	stream.indirect.gather [hbm4b:s1+s11], $0x1, s19, s11, $0xb8;
	[tilespmem:$0x3C00] =	vst v63  }
0x47: {  	s21 =	simm.s32 $0x1C80;
	s22 =	simm.s32 $0x2D80  }
0x48: {  	[tilespmem:s22], [sflag:$0x1] =	stream.indirect.gather [hbm4b:s1+s11], $0x1, s21, s11, $0xb8;
	[tilespmem:$0x3C00] =	vst v63  }
0x49: {  	s17 =	simm.s32 $0x1D00;
	s18 =	simm.s32 $0x2E00  }
0x4a: {  	[tilespmem:s18], [sflag:$0x1] =	stream.indirect.gather [hbm4b:s1+s11], $0x1, s17, s11, $0xb8;
	[tilespmem:$0x3C00] =	vst v63  }
0x4b: {  	s19 =	simm.s32 $0x1D80;
	s20 =	simm.s32 $0x2E80  }
0x4c: {  	[tilespmem:s20], [sflag:$0x1] =	stream.indirect.gather [hbm4b:s1+s11], $0x1, s19, s11, $0xb8;
	[tilespmem:$0x3C00] =	vst v63  }
0x4d: {  	s21 =	simm.s32 $0x1E00;
	s22 =	simm.s32 $0x2F00  }
0x4e: {  	[tilespmem:s22], [sflag:$0x1] =	stream.indirect.gather [hbm4b:s1+s11], $0x1, s21, s11, $0xb8;
	[tilespmem:$0x3C00] =	vst v63  }
0x4f: {  	s17 =	simm.s32 $0x1E80;
	s18 =	simm.s32 $0x2F80  }
0x50: {  	[tilespmem:s18], [sflag:$0x1] =	stream.indirect.gather [hbm4b:s1+s11], $0x1, s17, s11, $0xb8;
	[tilespmem:$0x3C00] =	vst v63  }
0x51: {  	s19 =	simm.s32 $0x1F00;
	s20 =	simm.s32 $0x3000  }
0x52: {  	[tilespmem:s20], [sflag:$0x1] =	stream.indirect.gather [hbm4b:s1+s11], $0x1, s19, s11, $0xb8;
	[tilespmem:$0x3C00] =	vst v63  }
0x53: {  	s21 =	simm.s32 $0x1F80;
	s22 =	simm.s32 $0x3080  }
0x54: {  	[tilespmem:s22], [sflag:$0x1] =	stream.indirect.gather [hbm4b:s1+s11], $0x1, s21, s11, $0xb8;
	[tilespmem:$0x3C00] =	vst v63  }
0x55: {  	s15 =	simm.s32 $0x0;
	s17 =	simm.s32 $0x2000;
	s18 =	simm.s32 $0x3100  }
0x56: {  	[tilespmem:s18], [sflag:$0x1] =	stream.indirect.gather [hbm4b:s1+s11], $0x1, s17, s11, $0xb8;
	[tilespmem:$0x3C00] =	vst v63  }
0x57: {  	s16 =	simm.s32 $0x2180;
	s19 =	simm.s32 $0x2080;
	s20 =	simm.s32 $0x3180  }
0x58: {  	[tilespmem:s20], [sflag:$0x1] =	stream.indirect.gather [hbm4b:s1+s11], $0x1, s19, s11, $0xb8;
	[tilespmem:$0x3C00] =	vst v63  }
0x59: {  	s21 =	simm.s32 $0x2100;
	s22 =	simm.s32 $0x3200;
	s17 =	simm.s32 $0x0  }
0x5a: {  	[tilespmem:s22], [sflag:$0x1] =	stream.indirect.gather [hbm4b:s1+s11], $0x1, s21, s11, $0xb8;
	[tilespmem:$0x3C00] =	vst v63  }
.LBB2_8:
0x5b: {  	s18 =	sshll.u32 s17, $0x4  }
0x5c: {  	v2 =	vmov s18;
	_ =	sdelay $0x2  }
0x5d: {  	s19 =	sand.u32 $0x1800, s15;
	s20 =	sand.u32 $0x380, s15  }
0x5e: {  	s19 =	sor.u32 s20, s19  }
0x5f: {  	v4 =	vld.idx.msk [tilespmem:v2+s19+$0x400 ss:$0x1], $0xffff  }
0x60: {  	v3 =	vld [tilespmem:s18+$0x1880];
	_ =	sdelay $0x3  }
0x61: {  	s22 =	simm.s32 $0x100;
	v5 =	vshll.u32 v4, $0x3;
	v4 =	vand.u32 $0x7F, v4  }
0x62: {  	s21 =	sand.u32 $0x1800, s22;
	s19 =	simm.s32 $0x80;
	v5 =	vand.u32 $0xFFFFFC00, v5;
	v4 =	vadd.s32 v3, v4  }
0x63: {  	s20 =	simm.s32 $0x200;
	s18 =	smov.u32 s16;
	s22 =	sand.u32 $0x380, s19;
	v4 =	vadd.s32 v5, v4  }
.LBB2_9:
0x64: {  	p0 =	sne.s32 s20, $0x1000;
	s21 =	sor.u32 s22, s21;
	[tilespmem:s18+$0x0] =	vst v4  }
0x65: {  	v4 =	vld.idx.msk [tilespmem:v2+s21+$0x400 ss:$0x1], $0xffff;
	_ =	sdelay $0x3  }
.Ltmp3:
0x66: {  	(pc) =	sbr.rel @p0 .LBB2_9-.Ltmp3, $4  }
0x67: {  	_ = 	snop  }
0x68: {  	v5 =	vshll.u32 v4, $0x3;
	v4 =	vand.u32 $0x7F, v4  }
0x69: {  	s19 =	sadd.s32 $0x80, s19;
	s18 =	sadd.s32 $0x80, s18;
	v5 =	vand.u32 $0xFFFFFC00, v5;
	v4 =	vadd.s32 v3, v4  }
0x6a: {  	s21 =	sand.u32 $0x1800, s20;
	s22 =	sand.u32 $0x380, s19;
	s20 =	sadd.s32 $0x100, s20;
	v4 =	vadd.s32 v5, v4  }
0x6b: {  	_ =	sdelay $0x2  }
0x6c: {  	s19 =	sor.u32 s22, s21;
	[tilespmem:s18+$0x0] =	vst v4  }
0x6d: {  	v2 =	vld.idx.msk [tilespmem:v2+s19+$0x400 ss:$0x1], $0xffff;
	_ =	sdelay $0x1  }
0x6e: {  	s17 =	sadd.s32 $0x1, s17  }
0x6f: {  	p0 =	sne.s32 s17, $0x8  }
.Ltmp4:
0x70: {  	_ = 	snop;
	(pc) =	sbr.rel @p0 .LBB2_8-.Ltmp4, $4  }
0x71: {  	v63 =	vshll.u32 v2, $0x3;
	v2 =	vand.u32 $0x7F, v2  }
0x72: {  	v4 =	vand.u32 $0xFFFFFC00, v63;
	v2 =	vadd.s32 v3, v2  }
0x73: {  	s22 =	sadd.s32 $0x80, s18;
	v2 =	vadd.s32 v4, v2  }
0x74: {  	s16 =	sadd.s32 $0x10, s16;
	[tilespmem:s22+$0x0] =	vst v2  }
0x75: {  	s15 =	simm.s32 $0x2180;
	s16 =	simm.s32 $0x3280  }
0x76: {  	[tilespmem:s16], [sflag:$0x1] =	stream.indirect.gather [hbm4b:s1+s11], $0x1, s15, s11, $0xb8;
	[tilespmem:$0x3C00] =	vst v63  }
0x77: {  	s21 =	simm.s32 $0x2200;
	s22 =	simm.s32 $0x3300  }
0x78: {  	[tilespmem:s22], [sflag:$0x1] =	stream.indirect.gather [hbm4b:s1+s11], $0x1, s21, s11, $0xb8;
	[tilespmem:$0x3C00] =	vst v63  }
0x79: {  	s17 =	simm.s32 $0x2280;
	s18 =	simm.s32 $0x3380  }
0x7a: {  	[tilespmem:s18], [sflag:$0x1] =	stream.indirect.gather [hbm4b:s1+s11], $0x1, s17, s11, $0xb8;
	[tilespmem:$0x3C00] =	vst v63  }
0x7b: {  	s19 =	simm.s32 $0x2300;
	s20 =	simm.s32 $0x3400  }
0x7c: {  	[tilespmem:s20], [sflag:$0x1] =	stream.indirect.gather [hbm4b:s1+s11], $0x1, s19, s11, $0xb8;
	[tilespmem:$0x3C00] =	vst v63  }
0x7d: {  	s21 =	simm.s32 $0x2380;
	s22 =	simm.s32 $0x3480  }
0x7e: {  	[tilespmem:s22], [sflag:$0x1] =	stream.indirect.gather [hbm4b:s1+s11], $0x1, s21, s11, $0xb8;
	[tilespmem:$0x3C00] =	vst v63  }
0x7f: {  	s17 =	simm.s32 $0x2400;
	s18 =	simm.s32 $0x3500  }
0x80: {  	[tilespmem:s18], [sflag:$0x1] =	stream.indirect.gather [hbm4b:s1+s11], $0x1, s17, s11, $0xb8;
	[tilespmem:$0x3C00] =	vst v63  }
0x81: {  	s19 =	simm.s32 $0x2480;
	s20 =	simm.s32 $0x3580  }
0x82: {  	[tilespmem:s20], [sflag:$0x1] =	stream.indirect.gather [hbm4b:s1+s11], $0x1, s19, s11, $0xb8;
	[tilespmem:$0x3C00] =	vst v63  }
0x83: {  	s21 =	simm.s32 $0x2500;
	s22 =	simm.s32 $0x3600  }
0x84: {  	[tilespmem:s22], [sflag:$0x1] =	stream.indirect.gather [hbm4b:s1+s11], $0x1, s21, s11, $0xb8;
	[tilespmem:$0x3C00] =	vst v63  }
0x85: {  	s16 =	simm.s32 $0x2580;
	s17 =	simm.s32 $0x3680  }
0x86: {  	[tilespmem:s17], [sflag:$0x1] =	stream.indirect.gather [hbm4b:s1+s11], $0x1, s16, s11, $0xb8;
	[tilespmem:$0x3C00] =	vst v63  }
0x87: {  	s18 =	simm.s32 $0x2600;
	s19 =	simm.s32 $0x3700  }
0x88: {  	[tilespmem:s19], [sflag:$0x1] =	stream.indirect.gather [hbm4b:s1+s11], $0x1, s18, s11, $0xb8;
	[tilespmem:$0x3C00] =	vst v63  }
0x89: {  	s20 =	simm.s32 $0x2680;
	s21 =	simm.s32 $0x3780  }
0x8a: {  	[tilespmem:s21], [sflag:$0x1] =	stream.indirect.gather [hbm4b:s1+s11], $0x1, s20, s11, $0xb8;
	[tilespmem:$0x3C00] =	vst v63  }
0x8b: {  	s22 =	simm.s32 $0x2700  }
0x8c: {  	[tilespmem:s23], [sflag:$0x1] =	stream.indirect.gather [hbm4b:s1+s11], $0x1, s22, s11, $0xb8;
	[tilespmem:$0x3C00] =	vst v63  }
0x8d: {  	_ = 	snop  }
0x8e: {  	[tilespmem:s25], [sflag:$0x1] =	stream.indirect.gather [hbm4b:s1+s11], $0x1, s24, s11, $0xb8;
	[tilespmem:$0x3C00] =	vst v63  }
0x8f: {  	_ = 	snop  }
0x90: {  	[tilespmem:s28], [sflag:$0x1] =	stream.indirect.gather [hbm4b:s1+s11], $0x1, s26, s11, $0xb8;
	[tilespmem:$0x3C00] =	vst v63  }
0x91: {  	_ = 	snop  }
0x92: {  	[tilespmem:s30], [sflag:$0x1] =	stream.indirect.gather [hbm4b:s1+s11], $0x1, s29, s11, $0xb8;
	[tilespmem:$0x3C00] =	vst v63  }
0x93: {  	_ = 	snop  }
0x94: {  	[tilespmem:s0], [sflag:$0x1] =	stream.indirect.gather [hbm4b:s1+s11], $0x1, s31, s11, $0xb8;
	[tilespmem:$0x3C00] =	vst v63  }
0x95: {  	_ = 	snop  }
0x96: {  	[tilespmem:s8], [sflag:$0x1] =	stream.indirect.gather [hbm4b:s1+s11], $0x1, s2, s11, $0xb8;
	[tilespmem:$0x3C00] =	vst v63  }
0x97: {  	_ =	swait.ge [sflag:s9], $0x80  }
0x98: {  	[sflag:s9] =	ssyncset.done $0x0  }
0x99: {  	[sflag:s9] =	ssyncadd.s32 $0xFFFFFF80  }
0x9a: {  	_ =	swait.ge [sflag:s9], $0x80  }
0x9b: {  	[sflag:s9] =	ssyncset.done $0x0  }
0x9c: {  	[sflag:s9] =	ssyncadd.s32 $0xFFFFFF80  }
0x9d: {  	_ =	swait.ge [sflag:s9], $0x80  }
0x9e: {  	[sflag:s9] =	ssyncset.done $0x0  }
0x9f: {  	[sflag:s9] =	ssyncadd.s32 $0xFFFFFF80  }
0xa0: {  	_ =	swait.ge [sflag:s9], $0x80  }
0xa1: {  	[sflag:s9] =	ssyncset.done $0x0  }
0xa2: {  	[sflag:s9] =	ssyncadd.s32 $0xFFFFFF80  }
0xa3: {  	_ =	swait.ge [sflag:s9], $0x80  }
0xa4: {  	[sflag:s9] =	ssyncset.done $0x0  }
0xa5: {  	[sflag:s9] =	ssyncadd.s32 $0xFFFFFF80  }
0xa6: {  	_ =	swait.ge [sflag:s9], $0x80  }
0xa7: {  	[sflag:s9] =	ssyncset.done $0x0  }
0xa8: {  	[sflag:s9] =	ssyncadd.s32 $0xFFFFFF80  }
0xa9: {  	_ =	swait.ge [sflag:s9], $0x80  }
0xaa: {  	[sflag:s9] =	ssyncset.done $0x0  }
0xab: {  	[sflag:s9] =	ssyncadd.s32 $0xFFFFFF80  }
0xac: {  	_ =	swait.ge [sflag:s9], $0x80  }
0xad: {  	[sflag:s9] =	ssyncset.done $0x0  }
0xae: {  	[sflag:s9] =	ssyncadd.s32 $0xFFFFFF80  }
0xaf: {  	_ =	swait.ge [sflag:s9], $0x80  }
0xb0: {  	[sflag:s9] =	ssyncset.done $0x0  }
0xb1: {  	[sflag:s9] =	ssyncadd.s32 $0xFFFFFF80  }
0xb2: {  	_ =	swait.ge [sflag:s9], $0x80  }
0xb3: {  	[sflag:s9] =	ssyncset.done $0x0  }
0xb4: {  	[sflag:s9] =	ssyncadd.s32 $0xFFFFFF80  }
0xb5: {  	_ =	swait.ge [sflag:s9], $0x80  }
0xb6: {  	[sflag:s9] =	ssyncset.done $0x0  }
0xb7: {  	[sflag:s9] =	ssyncadd.s32 $0xFFFFFF80  }
0xb8: {  	_ =	swait.ge [sflag:s9], $0x80  }
0xb9: {  	[sflag:s9] =	ssyncset.done $0x0  }
0xba: {  	[sflag:s9] =	ssyncadd.s32 $0xFFFFFF80  }
0xbb: {  	_ =	swait.ge [sflag:s9], $0x80  }
0xbc: {  	[sflag:s9] =	ssyncset.done $0x0  }
0xbd: {  	[sflag:s9] =	ssyncadd.s32 $0xFFFFFF80  }
0xbe: {  	_ =	swait.ge [sflag:s9], $0x80  }
0xbf: {  	[sflag:s9] =	ssyncset.done $0x0  }
0xc0: {  	[sflag:s9] =	ssyncadd.s32 $0xFFFFFF80  }
0xc1: {  	_ =	swait.ge [sflag:s9], $0x80  }
0xc2: {  	[sflag:s9] =	ssyncset.done $0x0  }
0xc3: {  	[sflag:s9] =	ssyncadd.s32 $0xFFFFFF80  }
0xc4: {  	_ =	swait.ge [sflag:s9], $0x80  }
0xc5: {  	[sflag:s9] =	ssyncset.done $0x0  }
0xc6: {  	[sflag:s9] =	ssyncadd.s32 $0xFFFFFF80  }
0xc7: {  	_ =	swait.ge [sflag:s9], $0x80  }
0xc8: {  	[sflag:s9] =	ssyncset.done $0x0  }
0xc9: {  	s16 =	simm.s32 $0x0;
	[sflag:s9] =	ssyncadd.s32 $0xFFFFFF80  }
0xca: {  	v2 =	vld [tilespmem:s16+$0x2A00]  }
0xcb: {  	v3 =	vld [tilespmem:s16+$0x2A80];
	_ =	sdelay $0x1  }
0xcc: {  	v4 =	vld [tilespmem:s16+$0x2B00];
	_ =	sdelay $0x1  }
0xcd: {  	v5 =	vld [tilespmem:s16+$0x2B80]  }
0xce: {  	v2 =	vadd.f32 v3, v2  }
0xcf: {  	v3 =	vld [tilespmem:s16+$0x2C00]  }
0xd0: {  	v2 =	vadd.f32 v4, v2  }
0xd1: {  	v4 =	vld [tilespmem:s16+$0x2C80]  }
0xd2: {  	v2 =	vadd.f32 v5, v2  }
0xd3: {  	v5 =	vld [tilespmem:s16+$0x2D00]  }
0xd4: {  	v2 =	vadd.f32 v3, v2  }
0xd5: {  	v3 =	vld [tilespmem:s16+$0x2D80]  }
0xd6: {  	v2 =	vadd.f32 v4, v2  }
0xd7: {  	s15 =	simm.s32 $0x10;
	v4 =	vld [tilespmem:s16+$0x2E00]  }
0xd8: {  	v6 =	vld [tilespmem:s15+$0x2A00];
	v2 =	vadd.f32 v5, v2  }
0xd9: {  	v5 =	vld [tilespmem:s16+$0x2E80]  }
0xda: {  	v7 =	vld [tilespmem:s15+$0x2A80];
	v2 =	vadd.f32 v3, v2  }
0xdb: {  	v3 =	vld [tilespmem:s16+$0x2F00]  }
0xdc: {  	v8 =	vld [tilespmem:s15+$0x2B00];
	v2 =	vadd.f32 v4, v2  }
0xdd: {  	v4 =	vld [tilespmem:s16+$0x2F80]  }
0xde: {  	v9 =	vld [tilespmem:s15+$0x2B80];
	v2 =	vadd.f32 v5, v2  }
0xdf: {  	v6 =	vadd.f32 v7, v6;
	v5 =	vld [tilespmem:s16+$0x3000]  }
0xe0: {  	v7 =	vld [tilespmem:s15+$0x2C00];
	v2 =	vadd.f32 v3, v2  }
0xe1: {  	v6 =	vadd.f32 v8, v6;
	v3 =	vld [tilespmem:s16+$0x3080]  }
0xe2: {  	v8 =	vld [tilespmem:s15+$0x2C80];
	v2 =	vadd.f32 v4, v2  }
0xe3: {  	v10 =	vld [tilespmem:s16+$0x3100];
	v4 =	vadd.f32 v9, v6  }
0xe4: {  	v9 =	vld [tilespmem:s15+$0x2D00];
	v2 =	vadd.f32 v5, v2  }
0xe5: {  	v11 =	vld [tilespmem:s16+$0x3180];
	v5 =	vadd.f32 v7, v4  }
0xe6: {  	v4 =	vld [tilespmem:s15+$0x2D80];
	v2 =	vadd.f32 v3, v2  }
0xe7: {  	v6 =	vld [tilespmem:s16+$0x3200];
	v3 =	vadd.f32 v8, v5  }
0xe8: {  	v5 =	vld [tilespmem:s15+$0x2E00];
	v8 =	vadd.f32 v10, v2  }
0xe9: {  	s17 =	simm.s32 $0x20;
	v2 =	vld [tilespmem:s15+$0x2E80];
	v7 =	vadd.f32 v9, v3  }
0xea: {  	s18 =	simm.s32 $0xC0;
	v3 =	vld [tilespmem:s17+$0x2A00];
	v8 =	vadd.f32 v11, v8  }
.LBB2_12:
0xeb: {  	p0 =	sne.s32 s18, $0x1C0;
	v9 =	vld [tilespmem:s17+$0x2A80];
	v4 =	vadd.f32 v4, v7  }
0xec: {  	v7 =	vld [tilespmem:s15+$0x2F00];
	v6 =	vadd.f32 v6, v8  }
0xed: {  	v8 =	vld [tilespmem:s17+$0x2B00];
	v4 =	vadd.f32 v5, v4  }
0xee: {  	v5 =	vld [tilespmem:s15+$0x2F80];
	[tilespmem:s16+$0x3B00] =	vst v6;
	s16 =	smov.u32 s15;
	s15 =	smov.u32 s17  }
0xef: {  	v6 =	vld [tilespmem:s15+$0x2B80];
	v2 =	vadd.f32 v2, v4  }
0xf0: {  	v3 =	vadd.f32 v9, v3;
	v4 =	vld [tilespmem:s16+$0x3000]  }
0xf1: {  	v9 =	vld [tilespmem:s15+$0x2C00];
	v2 =	vadd.f32 v7, v2  }
0xf2: {  	v3 =	vadd.f32 v8, v3;
	v7 =	vld [tilespmem:s16+$0x3080]  }
0xf3: {  	v8 =	vld [tilespmem:s15+$0x2C80];
	v2 =	vadd.f32 v5, v2  }
0xf4: {  	v3 =	vadd.f32 v6, v3;
	v10 =	vld [tilespmem:s16+$0x3100]  }
0xf5: {  	v11 =	vld [tilespmem:s15+$0x2D00];
	v2 =	vadd.f32 v4, v2  }
0xf6: {  	v3 =	vadd.f32 v9, v3;
	v9 =	vld [tilespmem:s16+$0x3180]  }
.Ltmp5:
0xf7: {  	v4 =	vld [tilespmem:s15+$0x2D80];
	v2 =	vadd.f32 v7, v2;
	(pc) =	sbr.rel @p0 .LBB2_12-.Ltmp5, $4  }
0xf8: {  	v3 =	vadd.f32 v8, v3;
	v6 =	vld [tilespmem:s16+$0x3200]  }
0xf9: {  	v5 =	vld [tilespmem:s15+$0x2E00];
	v8 =	vadd.f32 v10, v2  }
0xfa: {  	s17 =	sshra.s32 s18, $0x2;
	v7 =	vadd.f32 v11, v3;
	v2 =	vld [tilespmem:s15+$0x2E80]  }
0xfb: {  	s18 =	sadd.s32 $0x40, s18;
	v3 =	vld [tilespmem:s17+$0x2A00];
	v8 =	vadd.f32 v9, v8  }
0xfc: {  	v9 =	vld [tilespmem:s17+$0x2A80]  }
0xfd: {  	v10 =	vld [tilespmem:s15+$0x2F00];
	v4 =	vadd.f32 v4, v7;
	v6 =	vadd.f32 v6, v8  }
0xfe: {  	v7 =	vld [tilespmem:s17+$0x2B00]  }
0xff: {  	v8 =	vld [tilespmem:s15+$0x2F80];
	v4 =	vadd.f32 v5, v4;
	[tilespmem:s16+$0x3B00] =	vst v6  }
0x100: {  	v5 =	vld [tilespmem:s17+$0x2B80]  }
0x101: {  	v2 =	vadd.f32 v2, v4;
	v4 =	vld [tilespmem:s15+$0x3000];
	v3 =	vadd.f32 v9, v3  }
0x102: {  	v6 =	vld [tilespmem:s17+$0x2C00]  }
0x103: {  	v9 =	vld [tilespmem:s17+$0x2C80];
	v2 =	vadd.f32 v10, v2;
	v3 =	vadd.f32 v7, v3  }
0x104: {  	v7 =	vld [tilespmem:s15+$0x3080]  }
0x105: {  	v2 =	vadd.f32 v8, v2;
	v8 =	vld [tilespmem:s17+$0x2D00];
	v3 =	vadd.f32 v5, v3  }
0x106: {  	v5 =	vld [tilespmem:s15+$0x3100]  }
0x107: {  	v2 =	vadd.f32 v4, v2;
	v4 =	vld [tilespmem:s15+$0x3180];
	v3 =	vadd.f32 v6, v3  }
0x108: {  	v6 =	vld [tilespmem:s17+$0x2D80]  }
0x109: {  	v2 =	vadd.f32 v7, v2;
	v7 =	vld [tilespmem:s15+$0x3200];
	v3 =	vadd.f32 v9, v3  }
0x10a: {  	v9 =	vld [tilespmem:s17+$0x2E00]  }
0x10b: {  	v2 =	vadd.f32 v5, v2;
	v3 =	vadd.f32 v8, v3  }
0x10c: {  	v5 =	vld [tilespmem:s17+$0x2E80]  }
0x10d: {  	v2 =	vadd.f32 v4, v2;
	v3 =	vadd.f32 v6, v3  }
0x10e: {  	v4 =	vld [tilespmem:s17+$0x2F00]  }
0x10f: {  	v2 =	vadd.f32 v7, v2;
	v3 =	vadd.f32 v9, v3  }
0x110: {  	v6 =	vld [tilespmem:s17+$0x2F80]  }
0x111: {  	[tilespmem:s15+$0x3B00] =	vst v2;
	v2 =	vadd.f32 v5, v3  }
0x112: {  	v3 =	vld [tilespmem:s17+$0x3000]  }
0x113: {  	v2 =	vadd.f32 v4, v2  }
0x114: {  	v4 =	vld [tilespmem:s17+$0x3080]  }
0x115: {  	v2 =	vadd.f32 v6, v2  }
0x116: {  	v5 =	vld [tilespmem:s17+$0x3100]  }
0x117: {  	v2 =	vadd.f32 v3, v2  }
0x118: {  	v3 =	vld [tilespmem:s17+$0x3180]  }
0x119: {  	v2 =	vadd.f32 v4, v2  }
0x11a: {  	v4 =	vld [tilespmem:s17+$0x3200]  }
0x11b: {  	v2 =	vadd.f32 v5, v2;
	_ =	sdelay $0x1  }
0x11c: {  	v2 =	vadd.f32 v3, v2;
	_ =	sdelay $0x1  }
0x11d: {  	v2 =	vadd.f32 v4, v2;
	_ =	sdelay $0x1  }
0x11e: {  	[tilespmem:s17+$0x3B00] =	vst v2  }
0x11f: {  	_ =	swait.ge [sflag:s9], $0x80  }
0x120: {  	[sflag:s9] =	ssyncset.done $0x0  }
0x121: {  	[sflag:s9] =	ssyncadd.s32 $0xFFFFFF80  }
0x122: {  	_ =	swait.ge [sflag:s9], $0x80  }
0x123: {  	[sflag:s9] =	ssyncset.done $0x0  }
0x124: {  	[sflag:s9] =	ssyncadd.s32 $0xFFFFFF80  }
0x125: {  	_ =	swait.ge [sflag:s9], $0x80  }
0x126: {  	[sflag:s9] =	ssyncset.done $0x0  }
0x127: {  	[sflag:s9] =	ssyncadd.s32 $0xFFFFFF80  }
0x128: {  	_ =	swait.ge [sflag:s9], $0x80  }
0x129: {  	[sflag:s9] =	ssyncset.done $0x0  }
0x12a: {  	[sflag:s9] =	ssyncadd.s32 $0xFFFFFF80  }
0x12b: {  	_ =	swait.ge [sflag:s9], $0x80  }
0x12c: {  	[sflag:s9] =	ssyncset.done $0x0  }
0x12d: {  	[sflag:s9] =	ssyncadd.s32 $0xFFFFFF80  }
0x12e: {  	_ =	swait.ge [sflag:s9], $0x80  }
0x12f: {  	[sflag:s9] =	ssyncset.done $0x0  }
0x130: {  	[sflag:s9] =	ssyncadd.s32 $0xFFFFFF80  }
0x131: {  	_ =	swait.ge [sflag:s9], $0x80  }
0x132: {  	[sflag:s9] =	ssyncset.done $0x0  }
0x133: {  	[sflag:s9] =	ssyncadd.s32 $0xFFFFFF80  }
0x134: {  	_ =	swait.ge [sflag:s9], $0x80  }
0x135: {  	[sflag:s9] =	ssyncset.done $0x0  }
0x136: {  	[sflag:s9] =	ssyncadd.s32 $0xFFFFFF80  }
0x137: {  	_ =	swait.ge [sflag:s9], $0x80  }
0x138: {  	[sflag:s9] =	ssyncset.done $0x0  }
0x139: {  	[sflag:s9] =	ssyncadd.s32 $0xFFFFFF80  }
0x13a: {  	_ =	swait.ge [sflag:s9], $0x80  }
0x13b: {  	[sflag:s9] =	ssyncset.done $0x0  }
0x13c: {  	[sflag:s9] =	ssyncadd.s32 $0xFFFFFF80  }
0x13d: {  	_ =	swait.ge [sflag:s9], $0x80  }
0x13e: {  	[sflag:s9] =	ssyncset.done $0x0  }
0x13f: {  	[sflag:s9] =	ssyncadd.s32 $0xFFFFFF80  }
0x140: {  	_ =	swait.ge [sflag:s9], $0x80  }
0x141: {  	[sflag:s9] =	ssyncset.done $0x0  }
0x142: {  	[sflag:s9] =	ssyncadd.s32 $0xFFFFFF80  }
0x143: {  	_ =	swait.ge [sflag:s9], $0x80  }
0x144: {  	[sflag:s9] =	ssyncset.done $0x0  }
0x145: {  	[sflag:s9] =	ssyncadd.s32 $0xFFFFFF80  }
0x146: {  	_ =	swait.ge [sflag:s9], $0x80  }
0x147: {  	[sflag:s9] =	ssyncset.done $0x0  }
0x148: {  	[sflag:s9] =	ssyncadd.s32 $0xFFFFFF80  }
0x149: {  	_ =	swait.ge [sflag:s9], $0x80  }
0x14a: {  	[sflag:s9] =	ssyncset.done $0x0  }
0x14b: {  	[sflag:s9] =	ssyncadd.s32 $0xFFFFFF80  }
0x14c: {  	_ =	swait.ge [sflag:s9], $0x80  }
0x14d: {  	[sflag:s9] =	ssyncset.done $0x0  }
0x14e: {  	[sflag:s9] =	ssyncadd.s32 $0xFFFFFF80  }
0x14f: {  	_ =	swait.ge [sflag:s9], $0x80  }
0x150: {  	[sflag:s9] =	ssyncset.done $0x0  }
0x151: {  	s16 =	simm.s32 $0x0;
	[sflag:s9] =	ssyncadd.s32 $0xFFFFFF80  }
0x152: {  	v2 =	vld [tilespmem:s16+$0x3280]  }
0x153: {  	v3 =	vld [tilespmem:s16+$0x3300];
	_ =	sdelay $0x1  }
0x154: {  	v4 =	vld [tilespmem:s16+$0x3380];
	_ =	sdelay $0x1  }
0x155: {  	v5 =	vld [tilespmem:s16+$0x3400]  }
0x156: {  	v2 =	vadd.f32 v3, v2  }
0x157: {  	v3 =	vld [tilespmem:s16+$0x3480]  }
0x158: {  	v2 =	vadd.f32 v4, v2  }
0x159: {  	v4 =	vld [tilespmem:s16+$0x3500]  }
0x15a: {  	v2 =	vadd.f32 v5, v2  }
0x15b: {  	v5 =	vld [tilespmem:s16+$0x3580]  }
0x15c: {  	v2 =	vadd.f32 v3, v2  }
0x15d: {  	v3 =	vld [tilespmem:s16+$0x3600]  }
0x15e: {  	v2 =	vadd.f32 v4, v2  }
0x15f: {  	s15 =	simm.s32 $0x10;
	v4 =	vld [tilespmem:s16+$0x3680]  }
0x160: {  	v6 =	vld [tilespmem:s15+$0x3280];
	v2 =	vadd.f32 v5, v2  }
0x161: {  	v5 =	vld [tilespmem:s16+$0x3700]  }
0x162: {  	v7 =	vld [tilespmem:s15+$0x3300];
	v2 =	vadd.f32 v3, v2  }
0x163: {  	v3 =	vld [tilespmem:s16+$0x3780]  }
0x164: {  	v8 =	vld [tilespmem:s15+$0x3380];
	v2 =	vadd.f32 v4, v2  }
0x165: {  	v4 =	vld [tilespmem:s16+$0x3800]  }
0x166: {  	v9 =	vld [tilespmem:s15+$0x3400];
	v2 =	vadd.f32 v5, v2  }
0x167: {  	v6 =	vadd.f32 v7, v6;
	v5 =	vld [tilespmem:s16+$0x3880]  }
0x168: {  	v7 =	vld [tilespmem:s15+$0x3480];
	v2 =	vadd.f32 v3, v2  }
0x169: {  	v6 =	vadd.f32 v8, v6;
	v3 =	vld [tilespmem:s16+$0x3900]  }
0x16a: {  	v8 =	vld [tilespmem:s15+$0x3500];
	v2 =	vadd.f32 v4, v2  }
0x16b: {  	v10 =	vld [tilespmem:s16+$0x3980];
	v4 =	vadd.f32 v9, v6  }
0x16c: {  	v9 =	vld [tilespmem:s15+$0x3580];
	v2 =	vadd.f32 v5, v2  }
0x16d: {  	v11 =	vld [tilespmem:s16+$0x3A00];
	v5 =	vadd.f32 v7, v4  }
0x16e: {  	v4 =	vld [tilespmem:s15+$0x3600];
	v2 =	vadd.f32 v3, v2  }
0x16f: {  	v6 =	vld [tilespmem:s16+$0x3A80];
	v3 =	vadd.f32 v8, v5  }
0x170: {  	v5 =	vld [tilespmem:s15+$0x3680];
	v8 =	vadd.f32 v10, v2  }
0x171: {  	s17 =	simm.s32 $0x20;
	v2 =	vld [tilespmem:s15+$0x3700];
	v7 =	vadd.f32 v9, v3  }
0x172: {  	s18 =	simm.s32 $0xC0;
	v3 =	vld [tilespmem:s17+$0x3280];
	v8 =	vadd.f32 v11, v8  }
.LBB2_14:
0x173: {  	p0 =	sne.s32 s18, $0x1C0;
	v9 =	vld [tilespmem:s17+$0x3300];
	v4 =	vadd.f32 v4, v7  }
0x174: {  	v7 =	vld [tilespmem:s15+$0x3780];
	v6 =	vadd.f32 v6, v8  }
0x175: {  	v8 =	vld [tilespmem:s17+$0x3380];
	v4 =	vadd.f32 v5, v4  }
0x176: {  	v5 =	vld [tilespmem:s15+$0x3800];
	[tilespmem:s16+$0x3B80] =	vst v6;
	s16 =	smov.u32 s15;
	s15 =	smov.u32 s17  }
0x177: {  	v6 =	vld [tilespmem:s15+$0x3400];
	v2 =	vadd.f32 v2, v4  }
0x178: {  	v3 =	vadd.f32 v9, v3;
	v4 =	vld [tilespmem:s16+$0x3880]  }
0x179: {  	v9 =	vld [tilespmem:s15+$0x3480];
	v2 =	vadd.f32 v7, v2  }
0x17a: {  	v3 =	vadd.f32 v8, v3;
	v7 =	vld [tilespmem:s16+$0x3900]  }
0x17b: {  	v8 =	vld [tilespmem:s15+$0x3500];
	v2 =	vadd.f32 v5, v2  }
0x17c: {  	v3 =	vadd.f32 v6, v3;
	v10 =	vld [tilespmem:s16+$0x3980]  }
0x17d: {  	v11 =	vld [tilespmem:s15+$0x3580];
	v2 =	vadd.f32 v4, v2  }
0x17e: {  	v3 =	vadd.f32 v9, v3;
	v9 =	vld [tilespmem:s16+$0x3A00]  }
.Ltmp6:
0x17f: {  	v4 =	vld [tilespmem:s15+$0x3600];
	v2 =	vadd.f32 v7, v2;
	(pc) =	sbr.rel @p0 .LBB2_14-.Ltmp6, $4  }
0x180: {  	v3 =	vadd.f32 v8, v3;
	v6 =	vld [tilespmem:s16+$0x3A80]  }
0x181: {  	v5 =	vld [tilespmem:s15+$0x3680];
	v8 =	vadd.f32 v10, v2  }
0x182: {  	s17 =	sshra.s32 s18, $0x2;
	v7 =	vadd.f32 v11, v3;
	v2 =	vld [tilespmem:s15+$0x3700]  }
0x183: {  	s18 =	sadd.s32 $0x40, s18;
	v3 =	vld [tilespmem:s17+$0x3280];
	v8 =	vadd.f32 v9, v8  }
0x184: {  	v9 =	vld [tilespmem:s17+$0x3300]  }
0x185: {  	v10 =	vld [tilespmem:s15+$0x3780];
	v4 =	vadd.f32 v4, v7;
	v6 =	vadd.f32 v6, v8  }
0x186: {  	v46 =	vld [tilespmem:s17+$0x3380]  }
0x187: {  	v47 =	vld [tilespmem:s15+$0x3800];
	v4 =	vadd.f32 v5, v4;
	[tilespmem:s16+$0x3B80] =	vst v6  }
0x188: {  	v48 =	vld [tilespmem:s17+$0x3400]  }
0x189: {  	v2 =	vadd.f32 v2, v4;
	v49 =	vld [tilespmem:s15+$0x3880];
	v3 =	vadd.f32 v9, v3  }
0x18a: {  	v6 =	vld [tilespmem:s17+$0x3480]  }
0x18b: {  	v50 =	vld [tilespmem:s15+$0x3900];
	v2 =	vadd.f32 v10, v2;
	v3 =	vadd.f32 v46, v3  }
0x18c: {  	v51 =	vld [tilespmem:s17+$0x3500]  }
0x18d: {  	v52 =	vld [tilespmem:s15+$0x3980];
	v2 =	vadd.f32 v47, v2;
	v3 =	vadd.f32 v48, v3  }
0x18e: {  	v53 =	vld [tilespmem:s17+$0x3580]  }
0x18f: {  	v54 =	vld [tilespmem:s15+$0x3A00];
	v2 =	vadd.f32 v49, v2;
	v3 =	vadd.f32 v6, v3  }
0x190: {  	v55 =	vld [tilespmem:s17+$0x3600]  }
0x191: {  	v56 =	vld [tilespmem:s15+$0x3A80];
	v2 =	vadd.f32 v50, v2;
	v3 =	vadd.f32 v51, v3  }
0x192: {  	v57 =	vld [tilespmem:s17+$0x3680]  }
0x193: {  	v2 =	vadd.f32 v52, v2;
	v3 =	vadd.f32 v53, v3  }
0x194: {  	v58 =	vld [tilespmem:s17+$0x3700]  }
0x195: {  	v2 =	vadd.f32 v54, v2;
	v3 =	vadd.f32 v55, v3  }
0x196: {  	v59 =	vld [tilespmem:s17+$0x3780]  }
0x197: {  	v2 =	vadd.f32 v56, v2;
	v3 =	vadd.f32 v57, v3  }
0x198: {  	v60 =	vld [tilespmem:s17+$0x3800]  }
0x199: {  	[tilespmem:s15+$0x3B80] =	vst v2;
	v2 =	vadd.f32 v58, v3  }
0x19a: {  	v3 =	vld [tilespmem:s17+$0x3880]  }
0x19b: {  	v2 =	vadd.f32 v59, v2  }
0x19c: {  	v61 =	vld [tilespmem:s17+$0x3900]  }
0x19d: {  	v2 =	vadd.f32 v60, v2  }
0x19e: {  	v62 =	vld [tilespmem:s17+$0x3980]  }
0x19f: {  	v2 =	vadd.f32 v3, v2  }
0x1a0: {  	v3 =	vld [tilespmem:s17+$0x3A00]  }
0x1a1: {  	v2 =	vadd.f32 v61, v2  }
0x1a2: {  	v63 =	vld [tilespmem:s17+$0x3A80]  }
0x1a3: {  	v2 =	vadd.f32 v62, v2;
	_ =	sdelay $0x1  }
0x1a4: {  	v2 =	vadd.f32 v3, v2;
	_ =	sdelay $0x1  }
0x1a5: {  	s14 =	sadd.s32 $0x1, s14;
	v2 =	vadd.f32 v63, v2  }
0x1a6: {  	p0 =	sne.s32 s14, s7  }
.Ltmp7:
0x1a7: {  	[tilespmem:s17+$0x3B80] =	vst v2;
	(pc) =	sbr.rel @p0 .LBB2_1-.Ltmp7, $4  }
0x1a8: {  	[hbm4b:s6+s3] =	stream.linear.scatter [tilespmem:s12], [sflag:$0x3], $0x100, $0x38;
	[tilespmem:$0x3C00] =	vst v63  }
0x1a9: {  	_ =	swait.ge [sflag:s13], $0x100  }
0x1aa: {  	[sflag:s13] =	ssyncset.done $0x0  }
0x1ab: {  	[sflag:s13] =	ssyncadd.s32 $0xFFFFFF00  }
0x1ac: {  	_ =	sfence.sel $0x180000  }
0x1ad: {  	[bflag:$0x0] =	sbarrier.arrive $0xFFFF  }
0x1ae: {  	_ =	strace $0x90000047  }
0x1af: {  	s0 =	stileid.u32;
	[bflag:$0x2] =	sbarrier.arrive $0xFFFF  }
0x1b0: {  	p0 =	sne.s32 s0, $0x0;
	s0 =	rddreg [dreg:$0x3]  }
0x1b1: {  	s0 =	sadd.s32 @!p0 $0x100000, s0  }
0x1b2: {  	[sflag:s0] =	ssyncadd.tile.s32 @!p0 $0x1;
	_ =	shalt  }
.Lfunc_end2:
_tile_overlayer_lowered:
.L_overlay_start_2:
0x1b3: {  	(tag) =	ssettag $0x2  }
0x1b4: {  	s0 =	rddreg [dreg:$0x0];
	s2 =	stileid.u32  }
0x1b5: {  	s1 =	rddreg [dreg:$0x1];
	p0 =	sne.s32 s2, $0x0  }
0x1b6: {  	s3 =	rddreg [dreg:$0x2];
	[bflag:$0x3] =	sbarrier.arrive $0xFFFF;
	s2 =	simm.s32 @!p0 $0x1C03  }
0x1b7: {  	[timem:s3], [sflag:s2] =	dma.local @!p0 [hbm:s0], s1  }
0x1b8: {  	s0 =	simm.s32 @!p0 $0x3  }
0x1b9: {  	_ =	swait.ge @!p0 [sflag:s0], s1  }
0x1ba: {  	s1 =	ssub.s32 @!p0 $0x0, s1;
	[sflag:s0] =	ssyncset.done @!p0 $0x0  }
0x1bb: {  	[sflag:s0] =	ssyncadd.s32 @!p0 s1  }
0x1bc: {  	[bflag:$0x3] =	sbarrier.arrive $0xFFFF  }
0x1bd: {  	_ =	shalt  }

</sc_bundles>
